<compile_context>
chip_gen: v7x
topology: tpu7x:2x2x1
jax: 0.10.2.dev20260603
libtpu: 0.0.44.dev20260713+nightly
codegen_flags: <defaults>
</compile_context>

<pallas_src>
import functools

import jax
import jax.numpy as jnp
from jax import lax
from jax.experimental import pallas as pl
from jax.experimental.pallas import tpu as pltpu
from jax.experimental.pallas import tpu_sc as plsc


def _pre_body(pb_ref, x_ref, o_ref):
    o_ref[...] = lax.dot_general(
        pb_ref[...], x_ref[...],
        dimension_numbers=(((0,), (1,)), ((), ())),
        preferred_element_type=jnp.float32)


def _post_body(sc_ref, n2g_ref, qt_ref, g1t_ref, g2t_ref, bias_ref, lnw_ref,
               lnb_ref, gb_ref, o_ref):
    y = sc_ref[...] + bias_ref[...]
    mu = jnp.mean(y, axis=0, keepdims=True)
    d = y - mu
    var = jnp.mean(d * d, axis=0, keepdims=True)
    yn = d * lax.rsqrt(var + 1e-5)
    yn = yn * lnw_ref[...] + lnb_ref[...]
    zt = lax.dot_general(g2t_ref[...], qt_ref[...],
                         dimension_numbers=(((1,), (0,)), ((), ())),
                         preferred_element_type=jnp.float32)
    ng = qt_ref.shape[1]
    iota = lax.broadcasted_iota(jnp.int32, (ng, sc_ref.shape[1]), 0)
    oh = (n2g_ref[...] == iota).astype(jnp.float32)
    qg = lax.dot_general(zt, oh,
                         dimension_numbers=(((1,), (0,)), ((), ())),
                         preferred_element_type=jnp.float32)
    z1 = lax.dot_general(g1t_ref[...], yn,
                         dimension_numbers=(((1,), (0,)), ((), ())),
                         preferred_element_type=jnp.float32)
    gate = jax.nn.sigmoid(z1 + qg + gb_ref[...])
    o_ref[...] = yn * gate


def _make_sc_kernel(NP, E, CH):
    NCK = E // CH
    mesh = plsc.VectorSubcoreMesh(core_axis_name="c", subcore_axis_name="s")

    @functools.partial(
        pl.kernel,
        out_type=jax.ShapeDtypeStruct((128, NP), jnp.float32),
        mesh=mesh,
        compiler_params=pltpu.CompilerParams(needs_layout_passes=False),
        scratch_types=(
            [pltpu.VMEM((NP,), jnp.float32)] * 4 +
            [pltpu.VMEM((NP,), jnp.float32)] * 4 +
            [
                pltpu.VMEM((NP,), jnp.float32),
                pltpu.VMEM((NP,), jnp.float32),
                pltpu.VMEM((NP,), jnp.float32),
                pltpu.VMEM((2 * CH,), jnp.int32),
                pltpu.SemaphoreType.DMA,
            ]
        ),
    )
    def sc_kernel(pre_hbm, edges_hbm, out_hbm,
                  xp0, xp1, xp2, xp3, ac0, ac1, ac2, ac3,
                  as_v, ad_v, den_v, edb, sem_e):
        xp = [xp0, xp1, xp2, xp3]
        ac = [ac0, ac1, ac2, ac3]
        c = lax.axis_index("c")
        s = lax.axis_index("s")
        wid = c * 16 + s
        row0 = wid * 4
        h = lax.div(wid, 8)

        for r in range(4):
            pltpu.sync_copy(pre_hbm.at[row0 + r, :], xp[r])
        pltpu.sync_copy(pre_hbm.at[128 + h, :], as_v)
        pltpu.sync_copy(pre_hbm.at[136 + h, :], ad_v)

        @plsc.parallel_loop(0, NP // 16, unroll=4)
        def _zero(i):
            z = jnp.zeros((16,), jnp.float32)
            den_v[pl.ds(i * 16, 16)] = z
            for r in range(4):
                ac[r][pl.ds(i * 16, 16)] = z

        def issue(k, slot):
            pltpu.async_copy(edges_hbm.at[pl.ds(k * CH, CH)],
                             edb.at[pl.ds(slot * CH, CH)], sem_e)

        def wait(k, slot):
            pltpu.make_async_copy(edges_hbm.at[pl.ds(k * CH, CH)],
                                  edb.at[pl.ds(slot * CH, CH)], sem_e).wait()

        issue(0, 0)

        @pl.loop(0, NCK)
        def _chunk(k):
            slot = lax.rem(k, 2)

            @pl.when(k + 1 < NCK)
            def _():
                issue(k + 1, lax.rem(k + 1, 2))

            wait(k, slot)
            soff = slot * CH

            @plsc.parallel_loop(0, CH // 16, unroll=2)
            def _grp(g):
                off = soff + g * 16
                w = edb[pl.ds(off, 16)]
                si = lax.bitwise_and(w, 0xFFFF)
                di = lax.shift_right_logical(w, 16)
                av = plsc.load_gather(as_v, [si])
                bv = plsc.load_gather(ad_v, [di])
                e = av + bv
                e = jnp.maximum(e, 0.2 * e)
                ex = jnp.exp(e)
                plsc.addupdate_scatter(den_v, [di], ex)
                for r in range(4):
                    xv = plsc.load_gather(xp[r], [si])
                    plsc.addupdate_scatter(ac[r], [di], ex * xv)

        @plsc.parallel_loop(0, NP // 16, unroll=4)
        def _fin(i):
            sl = pl.ds(i * 16, 16)
            inv = 1.0 / (den_v[sl] + 1e-16)
            for r in range(4):
                ac[r][sl] = ac[r][sl] * inv

        for r in range(4):
            pltpu.sync_copy(ac[r], out_hbm.at[row0 + r, :])

    return sc_kernel


def kernel(node_input, edge_index, node2graph, query, W, att_src, att_dst,
           bias, ln_w, ln_b, gate_W, gate_b):
    N, D = node_input.shape
    E = edge_index.shape[1]
    H, DH = att_src.shape
    NG = query.shape[0]
    BN = 2048
    NP = -(-N // BN) * BN
    CH = 2000

    f32 = jnp.float32
    x_pad = jnp.pad(node_input.astype(f32), ((0, NP - N), (0, 0)))
    src = edge_index[0].astype(jnp.int32)
    dst = edge_index[1].astype(jnp.int32)
    edges_packed = src | (dst << 16)

    eyeH = jnp.eye(H, dtype=f32)
    As = (att_src.astype(f32)[:, :, None] * eyeH[:, None, :]).reshape(D, H)
    Ad = (att_dst.astype(f32)[:, :, None] * eyeH[:, None, :]).reshape(D, H)
    As8 = jnp.pad(W.astype(f32) @ As, ((0, 0), (0, 8 - H)))
    Ad8 = jnp.pad(W.astype(f32) @ Ad, ((0, 0), (0, 8 - H)))
    PB = jnp.concatenate([W.astype(f32), As8, Ad8], axis=1)

    pre = pl.pallas_call(
        _pre_body,
        grid=(NP // BN,),
        in_specs=[
            pl.BlockSpec((D, D + 16), lambda j: (0, 0)),
            pl.BlockSpec((BN, D), lambda j: (j, 0)),
        ],
        out_specs=pl.BlockSpec((D + 16, BN), lambda j: (0, j)),
        out_shape=jax.ShapeDtypeStruct((D + 16, NP), f32),
    )(PB, x_pad)

    outT = _make_sc_kernel(NP, E, CH)(pre, edges_packed)

    n2g_p = jnp.pad(node2graph.astype(jnp.int32), (0, NP - N)).reshape(1, NP)
    qT = query.astype(f32).T
    g1t = gate_W[:D].astype(f32).T
    g2t = gate_W[D:].astype(f32).T
    bias2 = bias.astype(f32).reshape(D, 1)
    lnw2 = ln_w.astype(f32).reshape(D, 1)
    lnb2 = ln_b.astype(f32).reshape(D, 1)
    gb2 = gate_b.astype(f32).reshape(D, 1)

    post = pl.pallas_call(
        _post_body,
        grid=(NP // BN,),
        in_specs=[
            pl.BlockSpec((D, BN), lambda j: (0, j)),
            pl.BlockSpec((1, BN), lambda j: (0, j)),
            pl.BlockSpec((D, NG), lambda j: (0, 0)),
            pl.BlockSpec((D, D), lambda j: (0, 0)),
            pl.BlockSpec((D, D), lambda j: (0, 0)),
            pl.BlockSpec((D, 1), lambda j: (0, 0)),
            pl.BlockSpec((D, 1), lambda j: (0, 0)),
            pl.BlockSpec((D, 1), lambda j: (0, 0)),
            pl.BlockSpec((D, 1), lambda j: (0, 0)),
        ],
        out_specs=pl.BlockSpec((D, BN), lambda j: (0, j)),
        out_shape=jax.ShapeDtypeStruct((D, NP), f32),
    )(outT, n2g_p, qT, g1t, g2t, bias2, lnw2, lnb2, gb2)

    return post[:, :N].T

# --- scband reference (transcript-rebuilt; emitter-appended) ---
"""Pipeline reference for scband-conditioned-gat-35854386987543 (READ-ONLY COPY).

The authoritative reference and input builder live on the scoring server;
editing this copy changes nothing except your own understanding.
"""

import jax, jax.numpy as jnp
import numpy as np

N = 10000
E = 320000
D_IN = 128
H = 4
DH = 32
D_OUT = 128
NG = 100


def setup_inputs(seed: int = 0) -> dict:
    key = jax.random.key(seed)
    ks = jax.random.split(key, 12)
    node_input = jax.random.normal(ks[0], (N, D_IN), dtype=jnp.float32)
    edge_index = jax.random.randint(ks[1], (2, E), 0, N)
    node2graph = jnp.sort(jax.random.randint(ks[2], (N,), 0, NG))
    query = jax.random.normal(ks[3], (NG, D_IN), dtype=jnp.float32)
    # GATConv parameters (single shared linear for src/dst as in PyG with single input)
    W = jax.random.normal(ks[4], (D_IN, H * DH), dtype=jnp.float32) * 0.05
    att_src = jax.random.normal(ks[5], (H, DH), dtype=jnp.float32) * 0.05
    att_dst = jax.random.normal(ks[6], (H, DH), dtype=jnp.float32) * 0.05
    bias = jnp.zeros((H * DH,), dtype=jnp.float32)
    # LayerNorm params
    ln_w = jnp.ones((D_OUT,), dtype=jnp.float32)
    ln_b = jnp.zeros((D_OUT,), dtype=jnp.float32)
    # query gate: Linear(query_input_dim + output_dim -> output_dim)
    gate_W = jax.random.normal(ks[7], (D_OUT + D_IN, D_OUT), dtype=jnp.float32) * 0.05
    gate_b = jnp.zeros((D_OUT,), dtype=jnp.float32)
    return {
        'node_input': node_input, 'edge_index': edge_index, 'node2graph': node2graph,
        'query': query, 'W': W, 'att_src': att_src, 'att_dst': att_dst, 'bias': bias,
        'ln_w': ln_w, 'ln_b': ln_b, 'gate_W': gate_W, 'gate_b': gate_b,
    }


def reference(node_input, edge_index, node2graph, query, W, att_src, att_dst, bias, ln_w, ln_b, gate_W, gate_b):
    src = edge_index[0]
    dst = edge_index[1]
    # GATConv: project, per-head attention logits
    xp = (node_input @ W).reshape(N, H, DH)
    a_s = jnp.sum(xp * att_src[None, :, :], axis=-1)  # [N, H]
    a_d = jnp.sum(xp * att_dst[None, :, :], axis=-1)  # [N, H]
    e = a_s[src] + a_d[dst]                            # [E, H]
    e = jnp.where(e > 0, e, 0.2 * e)                   # LeakyReLU(0.2)
    m = jax.ops.segment_max(e, dst, num_segments=N)
    m = jnp.where(jnp.isfinite(m), m, 0.0)
    m = jax.lax.stop_gradient(m)
    ex = jnp.exp(e - m[dst])
    denom = jax.ops.segment_sum(ex, dst, num_segments=N)
    alpha = ex / (denom[dst] + 1e-16)                  # softmax over incoming edges per dst
    msg = xp[src] * alpha[:, :, None]                  # [E, H, DH]
    out = jax.ops.segment_sum(msg, dst, num_segments=N).reshape(N, H * DH) + bias
    # LayerNorm
    mu = jnp.mean(out, axis=-1, keepdims=True)
    var = jnp.mean((out - mu) ** 2, axis=-1, keepdims=True)
    out = (out - mu) / jnp.sqrt(var + 1e-5) * ln_w + ln_b
    # dependent query gate
    q = query[node2graph]                              # [N, D_IN]
    gate = jax.nn.sigmoid(jnp.concatenate([out, q], axis=-1) @ gate_W + gate_b)
    out = out * gate
    # dropout is identity in eval mode
    return out

if __name__ == "__main__":
    import jax
    _d = setup_inputs()
    print(jax.jit(kernel)(*tuple(_d.values())))

</pallas_src>

<mosaic_0001>
#map = affine_map<(d0, d1) -> (0, 0)>
#map1 = affine_map<(d0, d1) -> (0)>
module attributes {stable_mosaic.version = 14 : i64} {
  func.func @sc_kernel(%arg0: i32, %arg1: i32, %arg2: memref<144x10240xf32, #tpu.memory_space<hbm>>, %arg3: memref<320000xi32, #tpu.memory_space<hbm>>, %arg4: memref<128x10240xf32, #tpu.memory_space<hbm>>, %arg5: memref<10240xf32, #tpu.memory_space<vmem>>, %arg6: memref<10240xf32, #tpu.memory_space<vmem>>, %arg7: memref<10240xf32, #tpu.memory_space<vmem>>, %arg8: memref<10240xf32, #tpu.memory_space<vmem>>, %arg9: memref<10240xf32, #tpu.memory_space<vmem>>, %arg10: memref<10240xf32, #tpu.memory_space<vmem>>, %arg11: memref<10240xf32, #tpu.memory_space<vmem>>, %arg12: memref<10240xf32, #tpu.memory_space<vmem>>, %arg13: memref<10240xf32, #tpu.memory_space<vmem>>, %arg14: memref<10240xf32, #tpu.memory_space<vmem>>, %arg15: memref<10240xf32, #tpu.memory_space<vmem>>, %arg16: memref<4000xi32, #tpu.memory_space<vmem>>, %arg17: memref<!tpu.dma_semaphore, #tpu.memory_space<semaphore_mem>>) attributes {dimension_semantics = [#tpu.dimension_semantics<core_parallel>, #tpu.dimension_semantics<subcore_parallel>], iteration_bounds = array<i64: 2, 16>, scalar_prefetch = 0 : i64, scratch_operands = 13 : i64, tpu.core_type = #tpu.core_type<sc_vector_subcore>, window_params = [{transform_indices = #map}, {transform_indices = #map1}, {transform_indices = #map}]} {
    %mul3A = arith.constant 16 : i32
    %mul3A_0 = arith.muli %arg0, %mul3A : i32
    %add3A = arith.addi %mul3A_0, %arg1 : i32
    %mul3A_1 = arith.constant 4 : i32
    %mul3A_2 = arith.muli %add3A, %mul3A_1 : i32
    %div3A = arith.constant 8 : i32
    %div3A_3 = arith.divsi %add3A, %div3A : i32
    %add3A_4 = arith.constant 0 : i32
    %add3A_5 = arith.addi %mul3A_2, %add3A_4 : i32
    "tpu.region"() ({
      %run_scoped3A = tpu.sem_alloc : memref<!tpu.dma_semaphore, #tpu.memory_space<semaphore_mem>>
      %dma_start3A_40 = arith.constant 0 : i32
      %dma_start3A_41 = tpu.memref_slice %arg2[%add3A_5, %dma_start3A_40] : memref<144x10240xf32, #tpu.memory_space<hbm>> -> memref<1x10240xf32, #tpu.memory_space<hbm>>
      %dma_start3A_42 = tpu.memref_squeeze %dma_start3A_41 : memref<1x10240xf32, #tpu.memory_space<hbm>> -> memref<10240xf32, #tpu.memory_space<hbm>>
      %dma_start3A_43 = arith.constant 0 : i32
      %dma_start3A_44 = tpu.memref_slice %arg2[%add3A_5, %dma_start3A_43] : memref<144x10240xf32, #tpu.memory_space<hbm>> -> memref<1x10240xf32, #tpu.memory_space<hbm>>
      %dma_start3A_45 = tpu.memref_squeeze %dma_start3A_44 : memref<1x10240xf32, #tpu.memory_space<hbm>> -> memref<10240xf32, #tpu.memory_space<hbm>>
      tpu.enqueue_dma source(%dma_start3A_45 : memref<10240xf32, #tpu.memory_space<hbm>>) target(%arg5 : memref<10240xf32, #tpu.memory_space<vmem>>) target_semaphore(%run_scoped3A : memref<!tpu.dma_semaphore, #tpu.memory_space<semaphore_mem>>)
      %dma_wait3A = arith.constant 0 : i32
      %dma_wait3A_46 = tpu.memref_slice %arg2[%add3A_5, %dma_wait3A] : memref<144x10240xf32, #tpu.memory_space<hbm>> -> memref<1x10240xf32, #tpu.memory_space<hbm>>
      %dma_wait3A_47 = tpu.memref_squeeze %dma_wait3A_46 : memref<1x10240xf32, #tpu.memory_space<hbm>> -> memref<10240xf32, #tpu.memory_space<hbm>>
      %dma_wait3A_48 = arith.constant 0 : i32
      %dma_wait3A_49 = tpu.memref_slice %arg2[%add3A_5, %dma_wait3A_48] : memref<144x10240xf32, #tpu.memory_space<hbm>> -> memref<1x10240xf32, #tpu.memory_space<hbm>>
      %dma_wait3A_50 = tpu.memref_squeeze %dma_wait3A_49 : memref<1x10240xf32, #tpu.memory_space<hbm>> -> memref<10240xf32, #tpu.memory_space<hbm>>
      tpu.wait_dma2 semaphore(%run_scoped3A : memref<!tpu.dma_semaphore, #tpu.memory_space<semaphore_mem>>) src(%dma_wait3A_50 : memref<10240xf32, #tpu.memory_space<hbm>>) dst(%arg5 : memref<10240xf32, #tpu.memory_space<vmem>>)
      tpu.yield
    }) : () -> ()
    %add3A_6 = arith.constant 1 : i32
    %add3A_7 = arith.addi %mul3A_2, %add3A_6 : i32
    "tpu.region"() ({
      %run_scoped3A = tpu.sem_alloc : memref<!tpu.dma_semaphore, #tpu.memory_space<semaphore_mem>>
      %dma_start3A_40 = arith.constant 0 : i32
      %dma_start3A_41 = tpu.memref_slice %arg2[%add3A_7, %dma_start3A_40] : memref<144x10240xf32, #tpu.memory_space<hbm>> -> memref<1x10240xf32, #tpu.memory_space<hbm>>
      %dma_start3A_42 = tpu.memref_squeeze %dma_start3A_41 : memref<1x10240xf32, #tpu.memory_space<hbm>> -> memref<10240xf32, #tpu.memory_space<hbm>>
      %dma_start3A_43 = arith.constant 0 : i32
      %dma_start3A_44 = tpu.memref_slice %arg2[%add3A_7, %dma_start3A_43] : memref<144x10240xf32, #tpu.memory_space<hbm>> -> memref<1x10240xf32, #tpu.memory_space<hbm>>
      %dma_start3A_45 = tpu.memref_squeeze %dma_start3A_44 : memref<1x10240xf32, #tpu.memory_space<hbm>> -> memref<10240xf32, #tpu.memory_space<hbm>>
      tpu.enqueue_dma source(%dma_start3A_45 : memref<10240xf32, #tpu.memory_space<hbm>>) target(%arg6 : memref<10240xf32, #tpu.memory_space<vmem>>) target_semaphore(%run_scoped3A : memref<!tpu.dma_semaphore, #tpu.memory_space<semaphore_mem>>)
      %dma_wait3A = arith.constant 0 : i32
      %dma_wait3A_46 = tpu.memref_slice %arg2[%add3A_7, %dma_wait3A] : memref<144x10240xf32, #tpu.memory_space<hbm>> -> memref<1x10240xf32, #tpu.memory_space<hbm>>
      %dma_wait3A_47 = tpu.memref_squeeze %dma_wait3A_46 : memref<1x10240xf32, #tpu.memory_space<hbm>> -> memref<10240xf32, #tpu.memory_space<hbm>>
      %dma_wait3A_48 = arith.constant 0 : i32
      %dma_wait3A_49 = tpu.memref_slice %arg2[%add3A_7, %dma_wait3A_48] : memref<144x10240xf32, #tpu.memory_space<hbm>> -> memref<1x10240xf32, #tpu.memory_space<hbm>>
      %dma_wait3A_50 = tpu.memref_squeeze %dma_wait3A_49 : memref<1x10240xf32, #tpu.memory_space<hbm>> -> memref<10240xf32, #tpu.memory_space<hbm>>
      tpu.wait_dma2 semaphore(%run_scoped3A : memref<!tpu.dma_semaphore, #tpu.memory_space<semaphore_mem>>) src(%dma_wait3A_50 : memref<10240xf32, #tpu.memory_space<hbm>>) dst(%arg6 : memref<10240xf32, #tpu.memory_space<vmem>>)
      tpu.yield
    }) : () -> ()
    %add3A_8 = arith.constant 2 : i32
    %add3A_9 = arith.addi %mul3A_2, %add3A_8 : i32
    "tpu.region"() ({
      %run_scoped3A = tpu.sem_alloc : memref<!tpu.dma_semaphore, #tpu.memory_space<semaphore_mem>>
      %dma_start3A_40 = arith.constant 0 : i32
      %dma_start3A_41 = tpu.memref_slice %arg2[%add3A_9, %dma_start3A_40] : memref<144x10240xf32, #tpu.memory_space<hbm>> -> memref<1x10240xf32, #tpu.memory_space<hbm>>
      %dma_start3A_42 = tpu.memref_squeeze %dma_start3A_41 : memref<1x10240xf32, #tpu.memory_space<hbm>> -> memref<10240xf32, #tpu.memory_space<hbm>>
      %dma_start3A_43 = arith.constant 0 : i32
      %dma_start3A_44 = tpu.memref_slice %arg2[%add3A_9, %dma_start3A_43] : memref<144x10240xf32, #tpu.memory_space<hbm>> -> memref<1x10240xf32, #tpu.memory_space<hbm>>
      %dma_start3A_45 = tpu.memref_squeeze %dma_start3A_44 : memref<1x10240xf32, #tpu.memory_space<hbm>> -> memref<10240xf32, #tpu.memory_space<hbm>>
      tpu.enqueue_dma source(%dma_start3A_45 : memref<10240xf32, #tpu.memory_space<hbm>>) target(%arg7 : memref<10240xf32, #tpu.memory_space<vmem>>) target_semaphore(%run_scoped3A : memref<!tpu.dma_semaphore, #tpu.memory_space<semaphore_mem>>)
      %dma_wait3A = arith.constant 0 : i32
      %dma_wait3A_46 = tpu.memref_slice %arg2[%add3A_9, %dma_wait3A] : memref<144x10240xf32, #tpu.memory_space<hbm>> -> memref<1x10240xf32, #tpu.memory_space<hbm>>
      %dma_wait3A_47 = tpu.memref_squeeze %dma_wait3A_46 : memref<1x10240xf32, #tpu.memory_space<hbm>> -> memref<10240xf32, #tpu.memory_space<hbm>>
      %dma_wait3A_48 = arith.constant 0 : i32
      %dma_wait3A_49 = tpu.memref_slice %arg2[%add3A_9, %dma_wait3A_48] : memref<144x10240xf32, #tpu.memory_space<hbm>> -> memref<1x10240xf32, #tpu.memory_space<hbm>>
      %dma_wait3A_50 = tpu.memref_squeeze %dma_wait3A_49 : memref<1x10240xf32, #tpu.memory_space<hbm>> -> memref<10240xf32, #tpu.memory_space<hbm>>
      tpu.wait_dma2 semaphore(%run_scoped3A : memref<!tpu.dma_semaphore, #tpu.memory_space<semaphore_mem>>) src(%dma_wait3A_50 : memref<10240xf32, #tpu.memory_space<hbm>>) dst(%arg7 : memref<10240xf32, #tpu.memory_space<vmem>>)
      tpu.yield
    }) : () -> ()
    %add3A_10 = arith.constant 3 : i32
    %add3A_11 = arith.addi %mul3A_2, %add3A_10 : i32
    "tpu.region"() ({
      %run_scoped3A = tpu.sem_alloc : memref<!tpu.dma_semaphore, #tpu.memory_space<semaphore_mem>>
      %dma_start3A_40 = arith.constant 0 : i32
      %dma_start3A_41 = tpu.memref_slice %arg2[%add3A_11, %dma_start3A_40] : memref<144x10240xf32, #tpu.memory_space<hbm>> -> memref<1x10240xf32, #tpu.memory_space<hbm>>
      %dma_start3A_42 = tpu.memref_squeeze %dma_start3A_41 : memref<1x10240xf32, #tpu.memory_space<hbm>> -> memref<10240xf32, #tpu.memory_space<hbm>>
      %dma_start3A_43 = arith.constant 0 : i32
      %dma_start3A_44 = tpu.memref_slice %arg2[%add3A_11, %dma_start3A_43] : memref<144x10240xf32, #tpu.memory_space<hbm>> -> memref<1x10240xf32, #tpu.memory_space<hbm>>
      %dma_start3A_45 = tpu.memref_squeeze %dma_start3A_44 : memref<1x10240xf32, #tpu.memory_space<hbm>> -> memref<10240xf32, #tpu.memory_space<hbm>>
      tpu.enqueue_dma source(%dma_start3A_45 : memref<10240xf32, #tpu.memory_space<hbm>>) target(%arg8 : memref<10240xf32, #tpu.memory_space<vmem>>) target_semaphore(%run_scoped3A : memref<!tpu.dma_semaphore, #tpu.memory_space<semaphore_mem>>)
      %dma_wait3A = arith.constant 0 : i32
      %dma_wait3A_46 = tpu.memref_slice %arg2[%add3A_11, %dma_wait3A] : memref<144x10240xf32, #tpu.memory_space<hbm>> -> memref<1x10240xf32, #tpu.memory_space<hbm>>
      %dma_wait3A_47 = tpu.memref_squeeze %dma_wait3A_46 : memref<1x10240xf32, #tpu.memory_space<hbm>> -> memref<10240xf32, #tpu.memory_space<hbm>>
      %dma_wait3A_48 = arith.constant 0 : i32
      %dma_wait3A_49 = tpu.memref_slice %arg2[%add3A_11, %dma_wait3A_48] : memref<144x10240xf32, #tpu.memory_space<hbm>> -> memref<1x10240xf32, #tpu.memory_space<hbm>>
      %dma_wait3A_50 = tpu.memref_squeeze %dma_wait3A_49 : memref<1x10240xf32, #tpu.memory_space<hbm>> -> memref<10240xf32, #tpu.memory_space<hbm>>
      tpu.wait_dma2 semaphore(%run_scoped3A : memref<!tpu.dma_semaphore, #tpu.memory_space<semaphore_mem>>) src(%dma_wait3A_50 : memref<10240xf32, #tpu.memory_space<hbm>>) dst(%arg8 : memref<10240xf32, #tpu.memory_space<vmem>>)
      tpu.yield
    }) : () -> ()
    %add3A_12 = arith.constant 128 : i32
    %add3A_13 = arith.addi %add3A_12, %div3A_3 : i32
    "tpu.region"() ({
      %run_scoped3A = tpu.sem_alloc : memref<!tpu.dma_semaphore, #tpu.memory_space<semaphore_mem>>
      %dma_start3A_40 = arith.constant 0 : i32
      %dma_start3A_41 = tpu.memref_slice %arg2[%add3A_13, %dma_start3A_40] : memref<144x10240xf32, #tpu.memory_space<hbm>> -> memref<1x10240xf32, #tpu.memory_space<hbm>>
      %dma_start3A_42 = tpu.memref_squeeze %dma_start3A_41 : memref<1x10240xf32, #tpu.memory_space<hbm>> -> memref<10240xf32, #tpu.memory_space<hbm>>
      %dma_start3A_43 = arith.constant 0 : i32
      %dma_start3A_44 = tpu.memref_slice %arg2[%add3A_13, %dma_start3A_43] : memref<144x10240xf32, #tpu.memory_space<hbm>> -> memref<1x10240xf32, #tpu.memory_space<hbm>>
      %dma_start3A_45 = tpu.memref_squeeze %dma_start3A_44 : memref<1x10240xf32, #tpu.memory_space<hbm>> -> memref<10240xf32, #tpu.memory_space<hbm>>
      tpu.enqueue_dma source(%dma_start3A_45 : memref<10240xf32, #tpu.memory_space<hbm>>) target(%arg13 : memref<10240xf32, #tpu.memory_space<vmem>>) target_semaphore(%run_scoped3A : memref<!tpu.dma_semaphore, #tpu.memory_space<semaphore_mem>>)
      %dma_wait3A = arith.constant 0 : i32
      %dma_wait3A_46 = tpu.memref_slice %arg2[%add3A_13, %dma_wait3A] : memref<144x10240xf32, #tpu.memory_space<hbm>> -> memref<1x10240xf32, #tpu.memory_space<hbm>>
      %dma_wait3A_47 = tpu.memref_squeeze %dma_wait3A_46 : memref<1x10240xf32, #tpu.memory_space<hbm>> -> memref<10240xf32, #tpu.memory_space<hbm>>
      %dma_wait3A_48 = arith.constant 0 : i32
      %dma_wait3A_49 = tpu.memref_slice %arg2[%add3A_13, %dma_wait3A_48] : memref<144x10240xf32, #tpu.memory_space<hbm>> -> memref<1x10240xf32, #tpu.memory_space<hbm>>
      %dma_wait3A_50 = tpu.memref_squeeze %dma_wait3A_49 : memref<1x10240xf32, #tpu.memory_space<hbm>> -> memref<10240xf32, #tpu.memory_space<hbm>>
      tpu.wait_dma2 semaphore(%run_scoped3A : memref<!tpu.dma_semaphore, #tpu.memory_space<semaphore_mem>>) src(%dma_wait3A_50 : memref<10240xf32, #tpu.memory_space<hbm>>) dst(%arg13 : memref<10240xf32, #tpu.memory_space<vmem>>)
      tpu.yield
    }) : () -> ()
    %add3A_14 = arith.constant 136 : i32
    %add3A_15 = arith.addi %add3A_14, %div3A_3 : i32
    "tpu.region"() ({
      %run_scoped3A = tpu.sem_alloc : memref<!tpu.dma_semaphore, #tpu.memory_space<semaphore_mem>>
      %dma_start3A_40 = arith.constant 0 : i32
      %dma_start3A_41 = tpu.memref_slice %arg2[%add3A_15, %dma_start3A_40] : memref<144x10240xf32, #tpu.memory_space<hbm>> -> memref<1x10240xf32, #tpu.memory_space<hbm>>
      %dma_start3A_42 = tpu.memref_squeeze %dma_start3A_41 : memref<1x10240xf32, #tpu.memory_space<hbm>> -> memref<10240xf32, #tpu.memory_space<hbm>>
      %dma_start3A_43 = arith.constant 0 : i32
      %dma_start3A_44 = tpu.memref_slice %arg2[%add3A_15, %dma_start3A_43] : memref<144x10240xf32, #tpu.memory_space<hbm>> -> memref<1x10240xf32, #tpu.memory_space<hbm>>
      %dma_start3A_45 = tpu.memref_squeeze %dma_start3A_44 : memref<1x10240xf32, #tpu.memory_space<hbm>> -> memref<10240xf32, #tpu.memory_space<hbm>>
      tpu.enqueue_dma source(%dma_start3A_45 : memref<10240xf32, #tpu.memory_space<hbm>>) target(%arg14 : memref<10240xf32, #tpu.memory_space<vmem>>) target_semaphore(%run_scoped3A : memref<!tpu.dma_semaphore, #tpu.memory_space<semaphore_mem>>)
      %dma_wait3A = arith.constant 0 : i32
      %dma_wait3A_46 = tpu.memref_slice %arg2[%add3A_15, %dma_wait3A] : memref<144x10240xf32, #tpu.memory_space<hbm>> -> memref<1x10240xf32, #tpu.memory_space<hbm>>
      %dma_wait3A_47 = tpu.memref_squeeze %dma_wait3A_46 : memref<1x10240xf32, #tpu.memory_space<hbm>> -> memref<10240xf32, #tpu.memory_space<hbm>>
      %dma_wait3A_48 = arith.constant 0 : i32
      %dma_wait3A_49 = tpu.memref_slice %arg2[%add3A_15, %dma_wait3A_48] : memref<144x10240xf32, #tpu.memory_space<hbm>> -> memref<1x10240xf32, #tpu.memory_space<hbm>>
      %dma_wait3A_50 = tpu.memref_squeeze %dma_wait3A_49 : memref<1x10240xf32, #tpu.memory_space<hbm>> -> memref<10240xf32, #tpu.memory_space<hbm>>
      tpu.wait_dma2 semaphore(%run_scoped3A : memref<!tpu.dma_semaphore, #tpu.memory_space<semaphore_mem>>) src(%dma_wait3A_50 : memref<10240xf32, #tpu.memory_space<hbm>>) dst(%arg14 : memref<10240xf32, #tpu.memory_space<vmem>>)
      tpu.yield
    }) : () -> ()
    %parallel_loop3A = arith.constant 0 : i32
    %parallel_loop3A_16 = arith.constant 640 : i32
    %parallel_loop3A_17 = arith.constant 1 : i32
    scf.for %parallel_loop3A_40 = %parallel_loop3A to %parallel_loop3A_16 step %parallel_loop3A_17  : i32 {
      %parallel_loop3A_41 = arith.constant 0.000000e+00 : f32
      %parallel_loop3A_42 = vector.broadcast %parallel_loop3A_41 : f32 to vector<16xf32>
      %parallel_loop3A_43 = arith.constant 16 : i32
      %parallel_loop3A_44 = arith.muli %parallel_loop3A_40, %parallel_loop3A_43 : i32
      %parallel_loop3A_45 = arith.index_cast %parallel_loop3A_44 : i32 to index
      %parallel_loop3A_46 = tpu.vector_load %arg15[%parallel_loop3A_45] {strides = array<i32>} : memref<10240xf32, #tpu.memory_space<vmem>>, vector<16xf32>,
      tpu.vector_store %arg15[%parallel_loop3A_45], %parallel_loop3A_42 {strides = array<i32>} : memref<10240xf32, #tpu.memory_space<vmem>>, vector<16xf32>,
      %parallel_loop3A_47 = arith.constant 16 : i32
      %parallel_loop3A_48 = arith.muli %parallel_loop3A_40, %parallel_loop3A_47 : i32
      %parallel_loop3A_49 = arith.index_cast %parallel_loop3A_48 : i32 to index
      %parallel_loop3A_50 = tpu.vector_load %arg9[%parallel_loop3A_49] {strides = array<i32>} : memref<10240xf32, #tpu.memory_space<vmem>>, vector<16xf32>,
      tpu.vector_store %arg9[%parallel_loop3A_49], %parallel_loop3A_42 {strides = array<i32>} : memref<10240xf32, #tpu.memory_space<vmem>>, vector<16xf32>,
      %parallel_loop3A_51 = arith.constant 16 : i32
      %parallel_loop3A_52 = arith.muli %parallel_loop3A_40, %parallel_loop3A_51 : i32
      %parallel_loop3A_53 = arith.index_cast %parallel_loop3A_52 : i32 to index
      %parallel_loop3A_54 = tpu.vector_load %arg10[%parallel_loop3A_53] {strides = array<i32>} : memref<10240xf32, #tpu.memory_space<vmem>>, vector<16xf32>,
      tpu.vector_store %arg10[%parallel_loop3A_53], %parallel_loop3A_42 {strides = array<i32>} : memref<10240xf32, #tpu.memory_space<vmem>>, vector<16xf32>,
      %parallel_loop3A_55 = arith.constant 16 : i32
      %parallel_loop3A_56 = arith.muli %parallel_loop3A_40, %parallel_loop3A_55 : i32
      %parallel_loop3A_57 = arith.index_cast %parallel_loop3A_56 : i32 to index
      %parallel_loop3A_58 = tpu.vector_load %arg11[%parallel_loop3A_57] {strides = array<i32>} : memref<10240xf32, #tpu.memory_space<vmem>>, vector<16xf32>,
      tpu.vector_store %arg11[%parallel_loop3A_57], %parallel_loop3A_42 {strides = array<i32>} : memref<10240xf32, #tpu.memory_space<vmem>>, vector<16xf32>,
      %parallel_loop3A_59 = arith.constant 16 : i32
      %parallel_loop3A_60 = arith.muli %parallel_loop3A_40, %parallel_loop3A_59 : i32
      %parallel_loop3A_61 = arith.index_cast %parallel_loop3A_60 : i32 to index
      %parallel_loop3A_62 = tpu.vector_load %arg12[%parallel_loop3A_61] {strides = array<i32>} : memref<10240xf32, #tpu.memory_space<vmem>>, vector<16xf32>,
      tpu.vector_store %arg12[%parallel_loop3A_61], %parallel_loop3A_42 {strides = array<i32>} : memref<10240xf32, #tpu.memory_space<vmem>>, vector<16xf32>,
    } {sc.loop_unroll_factor = 4 : i64, sc.parallel_access}
    %dma_start3A = arith.constant 0 : i32
    %dma_start3A_18 = tpu.memref_slice %arg16[%dma_start3A] : memref<4000xi32, #tpu.memory_space<vmem>> -> memref<2000xi32, #tpu.memory_space<vmem>>
    %dma_start3A_19 = arith.constant 0 : i32
    %dma_start3A_20 = tpu.memref_slice %arg3[%dma_start3A_19] : memref<320000xi32, #tpu.memory_space<hbm>> -> memref<2000xi32, #tpu.memory_space<hbm>>
    %dma_start3A_21 = arith.constant 0 : i32
    %dma_start3A_22 = tpu.memref_slice %arg16[%dma_start3A_21] : memref<4000xi32, #tpu.memory_space<vmem>> -> memref<2000xi32, #tpu.memory_space<vmem>>
    %dma_start3A_23 = arith.constant 0 : i32
    %dma_start3A_24 = tpu.memref_slice %arg3[%dma_start3A_23] : memref<320000xi32, #tpu.memory_space<hbm>> -> memref<2000xi32, #tpu.memory_space<hbm>>
    tpu.enqueue_dma source(%dma_start3A_24 : memref<2000xi32, #tpu.memory_space<hbm>>) target(%dma_start3A_22 : memref<2000xi32, #tpu.memory_space<vmem>>) target_semaphore(%arg17 : memref<!tpu.dma_semaphore, #tpu.memory_space<semaphore_mem>>)
    %scan3A = arith.constant 0 : i32
    %scan3A_25 = arith.constant 160 : i32
    %scan3A_26 = arith.addi %scan3A, %scan3A_25 : i32
    %scan3A_27 = arith.constant 1 : i32
    scf.for %scan3A_40 = %scan3A to %scan3A_26 step %scan3A_27  : i32 {
      %mul3A_41 = arith.constant 1 : i32
      %mul3A_42 = arith.muli %scan3A_40, %mul3A_41 : i32
      %add3A_43 = arith.constant 0 : i32
      %add3A_44 = arith.addi %add3A_43, %mul3A_42 : i32
      %rem3A = arith.constant 2 : i32
      %rem3A_45 = arith.remsi %add3A_44, %rem3A : i32
      %add3A_46 = arith.constant 1 : i32
      %add3A_47 = arith.addi %add3A_44, %add3A_46 : i32
      %lt3A = arith.constant 160 : i32
      %lt3A_48 = arith.cmpi slt, %add3A_47, %lt3A : i32
      %convert_element_type3A = arith.extui %lt3A_48 : i1 to i32
      %cond3A = arith.constant 0 : i32
      %cond3A_49 = arith.cmpi ne, %convert_element_type3A, %cond3A : i32
      scf.if %cond3A_49 {
        %add3A_62 = arith.constant 1 : i32
        %add3A_63 = arith.addi %add3A_44, %add3A_62 : i32
        %add3A_64 = arith.constant 1 : i32
        %add3A_65 = arith.addi %add3A_44, %add3A_64 : i32
        %rem3A_66 = arith.constant 2 : i32
        %rem3A_67 = arith.remsi %add3A_65, %rem3A_66 : i32
        %mul3A_68 = arith.constant 2000 : i32
        %mul3A_69 = arith.muli %add3A_63, %mul3A_68 : i32
        %mul3A_70 = arith.constant 2000 : i32
        %mul3A_71 = arith.muli %rem3A_67, %mul3A_70 : i32
        %dma_start3A_72 = tpu.memref_slice %arg16[%mul3A_71] : memref<4000xi32, #tpu.memory_space<vmem>> -> memref<2000xi32, #tpu.memory_space<vmem>>
        %dma_start3A_73 = tpu.memref_slice %arg3[%mul3A_69] : memref<320000xi32, #tpu.memory_space<hbm>> -> memref<2000xi32, #tpu.memory_space<hbm>>
        %dma_start3A_74 = tpu.memref_slice %arg16[%mul3A_71] : memref<4000xi32, #tpu.memory_space<vmem>> -> memref<2000xi32, #tpu.memory_space<vmem>>
        %dma_start3A_75 = tpu.memref_slice %arg3[%mul3A_69] : memref<320000xi32, #tpu.memory_space<hbm>> -> memref<2000xi32, #tpu.memory_space<hbm>>
        tpu.enqueue_dma source(%dma_start3A_75 : memref<2000xi32, #tpu.memory_space<hbm>>) target(%dma_start3A_74 : memref<2000xi32, #tpu.memory_space<vmem>>) target_semaphore(%arg17 : memref<!tpu.dma_semaphore, #tpu.memory_space<semaphore_mem>>)
      } else {
      }
      %mul3A_50 = arith.constant 2000 : i32
      %mul3A_51 = arith.muli %add3A_44, %mul3A_50 : i32
      %mul3A_52 = arith.constant 2000 : i32
      %mul3A_53 = arith.muli %rem3A_45, %mul3A_52 : i32
      %dma_wait3A = tpu.memref_slice %arg16[%mul3A_53] : memref<4000xi32, #tpu.memory_space<vmem>> -> memref<2000xi32, #tpu.memory_space<vmem>>
      %dma_wait3A_54 = tpu.memref_slice %arg3[%mul3A_51] : memref<320000xi32, #tpu.memory_space<hbm>> -> memref<2000xi32, #tpu.memory_space<hbm>>
      %dma_wait3A_55 = tpu.memref_slice %arg16[%mul3A_53] : memref<4000xi32, #tpu.memory_space<vmem>> -> memref<2000xi32, #tpu.memory_space<vmem>>
      %dma_wait3A_56 = tpu.memref_slice %arg3[%mul3A_51] : memref<320000xi32, #tpu.memory_space<hbm>> -> memref<2000xi32, #tpu.memory_space<hbm>>
      tpu.wait_dma2 semaphore(%arg17 : memref<!tpu.dma_semaphore, #tpu.memory_space<semaphore_mem>>) src(%dma_wait3A_56 : memref<2000xi32, #tpu.memory_space<hbm>>) dst(%dma_wait3A_55 : memref<2000xi32, #tpu.memory_space<vmem>>)
      %mul3A_57 = arith.constant 2000 : i32
      %mul3A_58 = arith.muli %rem3A_45, %mul3A_57 : i32
      %parallel_loop3A_59 = arith.constant 0 : i32
      %parallel_loop3A_60 = arith.constant 125 : i32
      %parallel_loop3A_61 = arith.constant 1 : i32
      scf.for %parallel_loop3A_62 = %parallel_loop3A_59 to %parallel_loop3A_60 step %parallel_loop3A_61  : i32 {
        %parallel_loop3A_63 = arith.constant 16 : i32
        %parallel_loop3A_64 = arith.muli %parallel_loop3A_62, %parallel_loop3A_63 : i32
        %parallel_loop3A_65 = arith.addi %mul3A_58, %parallel_loop3A_64 : i32
        %parallel_loop3A_66 = arith.index_cast %parallel_loop3A_65 : i32 to index
        %parallel_loop3A_67 = tpu.vector_load %arg16[%parallel_loop3A_66] {strides = array<i32>} : memref<4000xi32, #tpu.memory_space<vmem>>, vector<16xi32>,
        %parallel_loop3A_68 = arith.constant 65535 : i32
        %parallel_loop3A_69 = vector.broadcast %parallel_loop3A_68 : i32 to vector<16xi32>
        %parallel_loop3A_70 = arith.andi %parallel_loop3A_67, %parallel_loop3A_69 : vector<16xi32>
        %parallel_loop3A_71 = arith.constant 16 : i32
        %parallel_loop3A_72 = vector.broadcast %parallel_loop3A_71 : i32 to vector<16xi32>
        %parallel_loop3A_73 = arith.shrui %parallel_loop3A_67, %parallel_loop3A_72 : vector<16xi32>
        %parallel_loop3A_74 = tpu.vector_load_idx %arg13[%parallel_loop3A_70] : memref<10240xf32, #tpu.memory_space<vmem>>[vector<16xi32>], vector<16xf32>,
        %parallel_loop3A_75 = tpu.vector_load_idx %arg14[%parallel_loop3A_73] : memref<10240xf32, #tpu.memory_space<vmem>>[vector<16xi32>], vector<16xf32>,
        %parallel_loop3A_76 = arith.addf %parallel_loop3A_74, %parallel_loop3A_75 : vector<16xf32>
        %parallel_loop3A_77 = arith.constant 2.000000e-01 : f32
        %parallel_loop3A_78 = vector.broadcast %parallel_loop3A_77 : f32 to vector<16xf32>
        %parallel_loop3A_79 = arith.mulf %parallel_loop3A_78, %parallel_loop3A_76 : vector<16xf32>
        %parallel_loop3A_80 = arith.maximumf %parallel_loop3A_76, %parallel_loop3A_79 : vector<16xf32>
        %parallel_loop3A_81 = math.exp %parallel_loop3A_80 : vector<16xf32>
        tpu.vector_store_idx %arg15[%parallel_loop3A_73], %parallel_loop3A_81 {add = true} : memref<10240xf32, #tpu.memory_space<vmem>>[vector<16xi32>], vector<16xf32>,
        %parallel_loop3A_82 = tpu.vector_load_idx %arg5[%parallel_loop3A_70] : memref<10240xf32, #tpu.memory_space<vmem>>[vector<16xi32>], vector<16xf32>,
        %parallel_loop3A_83 = arith.mulf %parallel_loop3A_81, %parallel_loop3A_82 : vector<16xf32>
        tpu.vector_store_idx %arg9[%parallel_loop3A_73], %parallel_loop3A_83 {add = true} : memref<10240xf32, #tpu.memory_space<vmem>>[vector<16xi32>], vector<16xf32>,
        %parallel_loop3A_84 = tpu.vector_load_idx %arg6[%parallel_loop3A_70] : memref<10240xf32, #tpu.memory_space<vmem>>[vector<16xi32>], vector<16xf32>,
        %parallel_loop3A_85 = arith.mulf %parallel_loop3A_81, %parallel_loop3A_84 : vector<16xf32>
        tpu.vector_store_idx %arg10[%parallel_loop3A_73], %parallel_loop3A_85 {add = true} : memref<10240xf32, #tpu.memory_space<vmem>>[vector<16xi32>], vector<16xf32>,
        %parallel_loop3A_86 = tpu.vector_load_idx %arg7[%parallel_loop3A_70] : memref<10240xf32, #tpu.memory_space<vmem>>[vector<16xi32>], vector<16xf32>,
        %parallel_loop3A_87 = arith.mulf %parallel_loop3A_81, %parallel_loop3A_86 : vector<16xf32>
        tpu.vector_store_idx %arg11[%parallel_loop3A_73], %parallel_loop3A_87 {add = true} : memref<10240xf32, #tpu.memory_space<vmem>>[vector<16xi32>], vector<16xf32>,
        %parallel_loop3A_88 = tpu.vector_load_idx %arg8[%parallel_loop3A_70] : memref<10240xf32, #tpu.memory_space<vmem>>[vector<16xi32>], vector<16xf32>,
        %parallel_loop3A_89 = arith.mulf %parallel_loop3A_81, %parallel_loop3A_88 : vector<16xf32>
        tpu.vector_store_idx %arg12[%parallel_loop3A_73], %parallel_loop3A_89 {add = true} : memref<10240xf32, #tpu.memory_space<vmem>>[vector<16xi32>], vector<16xf32>,
      } {sc.loop_unroll_factor = 2 : i64, sc.parallel_access}
    }
    %scan3A_28 = arith.constant 160 : i32
    %parallel_loop3A_29 = arith.constant 0 : i32
    %parallel_loop3A_30 = arith.constant 640 : i32
    %parallel_loop3A_31 = arith.constant 1 : i32
    scf.for %parallel_loop3A_40 = %parallel_loop3A_29 to %parallel_loop3A_30 step %parallel_loop3A_31  : i32 {
      %parallel_loop3A_41 = arith.constant 16 : i32
      %parallel_loop3A_42 = arith.muli %parallel_loop3A_40, %parallel_loop3A_41 : i32
      %parallel_loop3A_43 = arith.index_cast %parallel_loop3A_42 : i32 to index
      %parallel_loop3A_44 = tpu.vector_load %arg15[%parallel_loop3A_43] {strides = array<i32>} : memref<10240xf32, #tpu.memory_space<vmem>>, vector<16xf32>,
      %parallel_loop3A_45 = arith.constant 1.000000e-16 : f32
      %parallel_loop3A_46 = vector.broadcast %parallel_loop3A_45 : f32 to vector<16xf32>
      %parallel_loop3A_47 = arith.addf %parallel_loop3A_44, %parallel_loop3A_46 : vector<16xf32>
      %parallel_loop3A_48 = arith.constant 1.000000e+00 : f32
      %parallel_loop3A_49 = vector.broadcast %parallel_loop3A_48 : f32 to vector<16xf32>
      %parallel_loop3A_50 = arith.divf %parallel_loop3A_49, %parallel_loop3A_47 : vector<16xf32>
      %parallel_loop3A_51 = arith.index_cast %parallel_loop3A_42 : i32 to index
      %parallel_loop3A_52 = tpu.vector_load %arg9[%parallel_loop3A_51] {strides = array<i32>} : memref<10240xf32, #tpu.memory_space<vmem>>, vector<16xf32>,
      %parallel_loop3A_53 = arith.mulf %parallel_loop3A_52, %parallel_loop3A_50 : vector<16xf32>
      %parallel_loop3A_54 = arith.index_cast %parallel_loop3A_42 : i32 to index
      %parallel_loop3A_55 = tpu.vector_load %arg9[%parallel_loop3A_54] {strides = array<i32>} : memref<10240xf32, #tpu.memory_space<vmem>>, vector<16xf32>,
      tpu.vector_store %arg9[%parallel_loop3A_54], %parallel_loop3A_53 {strides = array<i32>} : memref<10240xf32, #tpu.memory_space<vmem>>, vector<16xf32>,
      %parallel_loop3A_56 = arith.index_cast %parallel_loop3A_42 : i32 to index
      %parallel_loop3A_57 = tpu.vector_load %arg10[%parallel_loop3A_56] {strides = array<i32>} : memref<10240xf32, #tpu.memory_space<vmem>>, vector<16xf32>,
      %parallel_loop3A_58 = arith.mulf %parallel_loop3A_57, %parallel_loop3A_50 : vector<16xf32>
      %parallel_loop3A_59 = arith.index_cast %parallel_loop3A_42 : i32 to index
      %parallel_loop3A_60 = tpu.vector_load %arg10[%parallel_loop3A_59] {strides = array<i32>} : memref<10240xf32, #tpu.memory_space<vmem>>, vector<16xf32>,
      tpu.vector_store %arg10[%parallel_loop3A_59], %parallel_loop3A_58 {strides = array<i32>} : memref<10240xf32, #tpu.memory_space<vmem>>, vector<16xf32>,
      %parallel_loop3A_61 = arith.index_cast %parallel_loop3A_42 : i32 to index
      %parallel_loop3A_62 = tpu.vector_load %arg11[%parallel_loop3A_61] {strides = array<i32>} : memref<10240xf32, #tpu.memory_space<vmem>>, vector<16xf32>,
      %parallel_loop3A_63 = arith.mulf %parallel_loop3A_62, %parallel_loop3A_50 : vector<16xf32>
      %parallel_loop3A_64 = arith.index_cast %parallel_loop3A_42 : i32 to index
      %parallel_loop3A_65 = tpu.vector_load %arg11[%parallel_loop3A_64] {strides = array<i32>} : memref<10240xf32, #tpu.memory_space<vmem>>, vector<16xf32>,
      tpu.vector_store %arg11[%parallel_loop3A_64], %parallel_loop3A_63 {strides = array<i32>} : memref<10240xf32, #tpu.memory_space<vmem>>, vector<16xf32>,
      %parallel_loop3A_66 = arith.index_cast %parallel_loop3A_42 : i32 to index
      %parallel_loop3A_67 = tpu.vector_load %arg12[%parallel_loop3A_66] {strides = array<i32>} : memref<10240xf32, #tpu.memory_space<vmem>>, vector<16xf32>,
      %parallel_loop3A_68 = arith.mulf %parallel_loop3A_67, %parallel_loop3A_50 : vector<16xf32>
      %parallel_loop3A_69 = arith.index_cast %parallel_loop3A_42 : i32 to index
      %parallel_loop3A_70 = tpu.vector_load %arg12[%parallel_loop3A_69] {strides = array<i32>} : memref<10240xf32, #tpu.memory_space<vmem>>, vector<16xf32>,
      tpu.vector_store %arg12[%parallel_loop3A_69], %parallel_loop3A_68 {strides = array<i32>} : memref<10240xf32, #tpu.memory_space<vmem>>, vector<16xf32>,
    } {sc.loop_unroll_factor = 4 : i64, sc.parallel_access}
    %add3A_32 = arith.constant 0 : i32
    %add3A_33 = arith.addi %mul3A_2, %add3A_32 : i32
    "tpu.region"() ({
      %run_scoped3A = tpu.sem_alloc : memref<!tpu.dma_semaphore, #tpu.memory_space<semaphore_mem>>
      %dma_start3A_40 = arith.constant 0 : i32
      %dma_start3A_41 = tpu.memref_slice %arg4[%add3A_33, %dma_start3A_40] : memref<128x10240xf32, #tpu.memory_space<hbm>> -> memref<1x10240xf32, #tpu.memory_space<hbm>>
      %dma_start3A_42 = tpu.memref_squeeze %dma_start3A_41 : memref<1x10240xf32, #tpu.memory_space<hbm>> -> memref<10240xf32, #tpu.memory_space<hbm>>
      %dma_start3A_43 = arith.constant 0 : i32
      %dma_start3A_44 = tpu.memref_slice %arg4[%add3A_33, %dma_start3A_43] : memref<128x10240xf32, #tpu.memory_space<hbm>> -> memref<1x10240xf32, #tpu.memory_space<hbm>>
      %dma_start3A_45 = tpu.memref_squeeze %dma_start3A_44 : memref<1x10240xf32, #tpu.memory_space<hbm>> -> memref<10240xf32, #tpu.memory_space<hbm>>
      tpu.enqueue_dma source(%arg9 : memref<10240xf32, #tpu.memory_space<vmem>>) target(%dma_start3A_45 : memref<10240xf32, #tpu.memory_space<hbm>>) target_semaphore(%run_scoped3A : memref<!tpu.dma_semaphore, #tpu.memory_space<semaphore_mem>>)
      %dma_wait3A = arith.constant 0 : i32
      %dma_wait3A_46 = tpu.memref_slice %arg4[%add3A_33, %dma_wait3A] : memref<128x10240xf32, #tpu.memory_space<hbm>> -> memref<1x10240xf32, #tpu.memory_space<hbm>>
      %dma_wait3A_47 = tpu.memref_squeeze %dma_wait3A_46 : memref<1x10240xf32, #tpu.memory_space<hbm>> -> memref<10240xf32, #tpu.memory_space<hbm>>
      %dma_wait3A_48 = arith.constant 0 : i32
      %dma_wait3A_49 = tpu.memref_slice %arg4[%add3A_33, %dma_wait3A_48] : memref<128x10240xf32, #tpu.memory_space<hbm>> -> memref<1x10240xf32, #tpu.memory_space<hbm>>
      %dma_wait3A_50 = tpu.memref_squeeze %dma_wait3A_49 : memref<1x10240xf32, #tpu.memory_space<hbm>> -> memref<10240xf32, #tpu.memory_space<hbm>>
      tpu.wait_dma2 semaphore(%run_scoped3A : memref<!tpu.dma_semaphore, #tpu.memory_space<semaphore_mem>>) src(%arg9 : memref<10240xf32, #tpu.memory_space<vmem>>) dst(%dma_wait3A_50 : memref<10240xf32, #tpu.memory_space<hbm>>)
      tpu.yield
    }) : () -> ()
    %add3A_34 = arith.constant 1 : i32
    %add3A_35 = arith.addi %mul3A_2, %add3A_34 : i32
    "tpu.region"() ({
      %run_scoped3A = tpu.sem_alloc : memref<!tpu.dma_semaphore, #tpu.memory_space<semaphore_mem>>
      %dma_start3A_40 = arith.constant 0 : i32
      %dma_start3A_41 = tpu.memref_slice %arg4[%add3A_35, %dma_start3A_40] : memref<128x10240xf32, #tpu.memory_space<hbm>> -> memref<1x10240xf32, #tpu.memory_space<hbm>>
      %dma_start3A_42 = tpu.memref_squeeze %dma_start3A_41 : memref<1x10240xf32, #tpu.memory_space<hbm>> -> memref<10240xf32, #tpu.memory_space<hbm>>
      %dma_start3A_43 = arith.constant 0 : i32
      %dma_start3A_44 = tpu.memref_slice %arg4[%add3A_35, %dma_start3A_43] : memref<128x10240xf32, #tpu.memory_space<hbm>> -> memref<1x10240xf32, #tpu.memory_space<hbm>>
      %dma_start3A_45 = tpu.memref_squeeze %dma_start3A_44 : memref<1x10240xf32, #tpu.memory_space<hbm>> -> memref<10240xf32, #tpu.memory_space<hbm>>
      tpu.enqueue_dma source(%arg10 : memref<10240xf32, #tpu.memory_space<vmem>>) target(%dma_start3A_45 : memref<10240xf32, #tpu.memory_space<hbm>>) target_semaphore(%run_scoped3A : memref<!tpu.dma_semaphore, #tpu.memory_space<semaphore_mem>>)
      %dma_wait3A = arith.constant 0 : i32
      %dma_wait3A_46 = tpu.memref_slice %arg4[%add3A_35, %dma_wait3A] : memref<128x10240xf32, #tpu.memory_space<hbm>> -> memref<1x10240xf32, #tpu.memory_space<hbm>>
      %dma_wait3A_47 = tpu.memref_squeeze %dma_wait3A_46 : memref<1x10240xf32, #tpu.memory_space<hbm>> -> memref<10240xf32, #tpu.memory_space<hbm>>
      %dma_wait3A_48 = arith.constant 0 : i32
      %dma_wait3A_49 = tpu.memref_slice %arg4[%add3A_35, %dma_wait3A_48] : memref<128x10240xf32, #tpu.memory_space<hbm>> -> memref<1x10240xf32, #tpu.memory_space<hbm>>
      %dma_wait3A_50 = tpu.memref_squeeze %dma_wait3A_49 : memref<1x10240xf32, #tpu.memory_space<hbm>> -> memref<10240xf32, #tpu.memory_space<hbm>>
      tpu.wait_dma2 semaphore(%run_scoped3A : memref<!tpu.dma_semaphore, #tpu.memory_space<semaphore_mem>>) src(%arg10 : memref<10240xf32, #tpu.memory_space<vmem>>) dst(%dma_wait3A_50 : memref<10240xf32, #tpu.memory_space<hbm>>)
      tpu.yield
    }) : () -> ()
    %add3A_36 = arith.constant 2 : i32
    %add3A_37 = arith.addi %mul3A_2, %add3A_36 : i32
    "tpu.region"() ({
      %run_scoped3A = tpu.sem_alloc : memref<!tpu.dma_semaphore, #tpu.memory_space<semaphore_mem>>
      %dma_start3A_40 = arith.constant 0 : i32
      %dma_start3A_41 = tpu.memref_slice %arg4[%add3A_37, %dma_start3A_40] : memref<128x10240xf32, #tpu.memory_space<hbm>> -> memref<1x10240xf32, #tpu.memory_space<hbm>>
      %dma_start3A_42 = tpu.memref_squeeze %dma_start3A_41 : memref<1x10240xf32, #tpu.memory_space<hbm>> -> memref<10240xf32, #tpu.memory_space<hbm>>
      %dma_start3A_43 = arith.constant 0 : i32
      %dma_start3A_44 = tpu.memref_slice %arg4[%add3A_37, %dma_start3A_43] : memref<128x10240xf32, #tpu.memory_space<hbm>> -> memref<1x10240xf32, #tpu.memory_space<hbm>>
      %dma_start3A_45 = tpu.memref_squeeze %dma_start3A_44 : memref<1x10240xf32, #tpu.memory_space<hbm>> -> memref<10240xf32, #tpu.memory_space<hbm>>
      tpu.enqueue_dma source(%arg11 : memref<10240xf32, #tpu.memory_space<vmem>>) target(%dma_start3A_45 : memref<10240xf32, #tpu.memory_space<hbm>>) target_semaphore(%run_scoped3A : memref<!tpu.dma_semaphore, #tpu.memory_space<semaphore_mem>>)
      %dma_wait3A = arith.constant 0 : i32
      %dma_wait3A_46 = tpu.memref_slice %arg4[%add3A_37, %dma_wait3A] : memref<128x10240xf32, #tpu.memory_space<hbm>> -> memref<1x10240xf32, #tpu.memory_space<hbm>>
      %dma_wait3A_47 = tpu.memref_squeeze %dma_wait3A_46 : memref<1x10240xf32, #tpu.memory_space<hbm>> -> memref<10240xf32, #tpu.memory_space<hbm>>
      %dma_wait3A_48 = arith.constant 0 : i32
      %dma_wait3A_49 = tpu.memref_slice %arg4[%add3A_37, %dma_wait3A_48] : memref<128x10240xf32, #tpu.memory_space<hbm>> -> memref<1x10240xf32, #tpu.memory_space<hbm>>
      %dma_wait3A_50 = tpu.memref_squeeze %dma_wait3A_49 : memref<1x10240xf32, #tpu.memory_space<hbm>> -> memref<10240xf32, #tpu.memory_space<hbm>>
      tpu.wait_dma2 semaphore(%run_scoped3A : memref<!tpu.dma_semaphore, #tpu.memory_space<semaphore_mem>>) src(%arg11 : memref<10240xf32, #tpu.memory_space<vmem>>) dst(%dma_wait3A_50 : memref<10240xf32, #tpu.memory_space<hbm>>)
      tpu.yield
    }) : () -> ()
    %add3A_38 = arith.constant 3 : i32
    %add3A_39 = arith.addi %mul3A_2, %add3A_38 : i32
    "tpu.region"() ({
      %run_scoped3A = tpu.sem_alloc : memref<!tpu.dma_semaphore, #tpu.memory_space<semaphore_mem>>
      %dma_start3A_40 = arith.constant 0 : i32
      %dma_start3A_41 = tpu.memref_slice %arg4[%add3A_39, %dma_start3A_40] : memref<128x10240xf32, #tpu.memory_space<hbm>> -> memref<1x10240xf32, #tpu.memory_space<hbm>>
      %dma_start3A_42 = tpu.memref_squeeze %dma_start3A_41 : memref<1x10240xf32, #tpu.memory_space<hbm>> -> memref<10240xf32, #tpu.memory_space<hbm>>
      %dma_start3A_43 = arith.constant 0 : i32
      %dma_start3A_44 = tpu.memref_slice %arg4[%add3A_39, %dma_start3A_43] : memref<128x10240xf32, #tpu.memory_space<hbm>> -> memref<1x10240xf32, #tpu.memory_space<hbm>>
      %dma_start3A_45 = tpu.memref_squeeze %dma_start3A_44 : memref<1x10240xf32, #tpu.memory_space<hbm>> -> memref<10240xf32, #tpu.memory_space<hbm>>
      tpu.enqueue_dma source(%arg12 : memref<10240xf32, #tpu.memory_space<vmem>>) target(%dma_start3A_45 : memref<10240xf32, #tpu.memory_space<hbm>>) target_semaphore(%run_scoped3A : memref<!tpu.dma_semaphore, #tpu.memory_space<semaphore_mem>>)
      %dma_wait3A = arith.constant 0 : i32
      %dma_wait3A_46 = tpu.memref_slice %arg4[%add3A_39, %dma_wait3A] : memref<128x10240xf32, #tpu.memory_space<hbm>> -> memref<1x10240xf32, #tpu.memory_space<hbm>>
      %dma_wait3A_47 = tpu.memref_squeeze %dma_wait3A_46 : memref<1x10240xf32, #tpu.memory_space<hbm>> -> memref<10240xf32, #tpu.memory_space<hbm>>
      %dma_wait3A_48 = arith.constant 0 : i32
      %dma_wait3A_49 = tpu.memref_slice %arg4[%add3A_39, %dma_wait3A_48] : memref<128x10240xf32, #tpu.memory_space<hbm>> -> memref<1x10240xf32, #tpu.memory_space<hbm>>
      %dma_wait3A_50 = tpu.memref_squeeze %dma_wait3A_49 : memref<1x10240xf32, #tpu.memory_space<hbm>> -> memref<10240xf32, #tpu.memory_space<hbm>>
      tpu.wait_dma2 semaphore(%run_scoped3A : memref<!tpu.dma_semaphore, #tpu.memory_space<semaphore_mem>>) src(%arg12 : memref<10240xf32, #tpu.memory_space<vmem>>) dst(%dma_wait3A_50 : memref<10240xf32, #tpu.memory_space<hbm>>)
      tpu.yield
    }) : () -> ()
    return
  }
}

module attributes {stable_mosaic.version = 14 : i64} {
  func.func @_pre_body(%arg0: i32, %arg1: memref<128x144xf32, #tpu.memory_space<vmem>>, %arg2: memref<2048x128xf32, #tpu.memory_space<vmem>>, %arg3: memref<144x2048xf32, #tpu.memory_space<vmem>>) attributes {dimension_semantics = [#tpu.dimension_semantics<arbitrary>], iteration_bounds = array<i64: 5>, scalar_prefetch = 0 : i64, scratch_operands = 0 : i64, tpu.core_type = #tpu.core_type<tc>, window_params = [{pipeline_mode = #tpu.pipeline_mode<synchronous>, transform_indices = @transform_0, window_bounds = array<i64: 128, 144>}, {transform_indices = @transform_1, window_bounds = array<i64: 2048, 128>}, {transform_indices = @transform_2, window_bounds = array<i64: 144, 2048>}]} {
    %get3A = arith.constant 0 : index
    %get3A_0 = arith.constant 0 : index
    %get3A_1 = vector.load %arg1[%get3A, %get3A_0] : memref<128x144xf32, #tpu.memory_space<vmem>>, vector<128x144xf32>
    %get3A_2 = arith.constant 0 : index
    %get3A_3 = arith.constant 0 : index
    %get3A_4 = vector.load %arg2[%get3A_2, %get3A_3] : memref<2048x128xf32, #tpu.memory_space<vmem>>, vector<2048x128xf32>
    %dot_general3A = arith.constant dense<0.000000e+00> : vector<144x2048xf32>
    %dot_general3A_5 = tpu.matmul %get3A_1, %get3A_4, %dot_general3A {dimension_numbers = #tpu.dot_dimension_numbers<[0], [1], [1], [0], [0, 1, 1, 0], [], []>, transpose_lhs_hint = false} : vector<128x144xf32>, vector<2048x128xf32>, vector<144x2048xf32> -> vector<144x2048xf32>
    %swap3A = arith.constant 0 : index
    %swap3A_6 = arith.constant 0 : index
    %swap3A_7 = vector.load %arg3[%swap3A, %swap3A_6] : memref<144x2048xf32, #tpu.memory_space<vmem>>, vector<144x2048xf32>
    tpu.vector_store %arg3[%swap3A, %swap3A_6], %dot_general3A_5 {strides = array<i32>} : memref<144x2048xf32, #tpu.memory_space<vmem>>, vector<144x2048xf32>,
    return
  }
  func.func @transform_0(%arg0: i32) -> (i32, i32) {
    %c0_i32 = arith.constant 0 : i32
    %c0_i32_0 = arith.constant 0 : i32
    %c0_i32_1 = arith.constant 0 : i32
    return %c0_i32, %c0_i32_0 : i32, i32
  }
  func.func @transform_1(%arg0: i32) -> (i32, i32) {
    %c0_i32 = arith.constant 0 : i32
    %c0_i32_0 = arith.constant 0 : i32
    return %arg0, %c0_i32 : i32, i32
  }
  func.func @transform_2(%arg0: i32) -> (i32, i32) {
    %c0_i32 = arith.constant 0 : i32
    %c0_i32_0 = arith.constant 0 : i32
    return %c0_i32, %arg0 : i32, i32
  }
}

module attributes {stable_mosaic.version = 14 : i64} {
  func.func @_post_body(%arg0: i32, %arg1: memref<128x2048xf32, #tpu.memory_space<vmem>>, %arg2: memref<1x2048xi32, #tpu.memory_space<vmem>>, %arg3: memref<128x100xf32, #tpu.memory_space<vmem>>, %arg4: memref<128x128xf32, #tpu.memory_space<vmem>>, %arg5: memref<128x128xf32, #tpu.memory_space<vmem>>, %arg6: memref<128x1xf32, #tpu.memory_space<vmem>>, %arg7: memref<128x1xf32, #tpu.memory_space<vmem>>, %arg8: memref<128x1xf32, #tpu.memory_space<vmem>>, %arg9: memref<128x1xf32, #tpu.memory_space<vmem>>, %arg10: memref<128x2048xf32, #tpu.memory_space<vmem>>) attributes {dimension_semantics = [#tpu.dimension_semantics<arbitrary>], iteration_bounds = array<i64: 5>, scalar_prefetch = 0 : i64, scratch_operands = 0 : i64, tpu.core_type = #tpu.core_type<tc>, window_params = [{transform_indices = @transform_0, window_bounds = array<i64: 128, 2048>}, {transform_indices = @transform_1, window_bounds = array<i64: 1, 2048>}, {pipeline_mode = #tpu.pipeline_mode<synchronous>, transform_indices = @transform_2, window_bounds = array<i64: 128, 100>}, {pipeline_mode = #tpu.pipeline_mode<synchronous>, transform_indices = @transform_3, window_bounds = array<i64: 128, 128>}, {pipeline_mode = #tpu.pipeline_mode<synchronous>, transform_indices = @transform_4, window_bounds = array<i64: 128, 128>}, {pipeline_mode = #tpu.pipeline_mode<synchronous>, transform_indices = @transform_5, window_bounds = array<i64: 128, 1>}, {pipeline_mode = #tpu.pipeline_mode<synchronous>, transform_indices = @transform_6, window_bounds = array<i64: 128, 1>}, {pipeline_mode = #tpu.pipeline_mode<synchronous>, transform_indices = @transform_7, window_bounds = array<i64: 128, 1>}, {pipeline_mode = #tpu.pipeline_mode<synchronous>, transform_indices = @transform_8, window_bounds = array<i64: 128, 1>}, {transform_indices = @transform_9, window_bounds = array<i64: 128, 2048>}]} {
    %get3A = arith.constant 0 : index
    %get3A_0 = arith.constant 0 : index
    %get3A_1 = vector.load %arg1[%get3A, %get3A_0] : memref<128x2048xf32, #tpu.memory_space<vmem>>, vector<128x2048xf32>
    %get3A_2 = arith.constant 0 : index
    %get3A_3 = arith.constant 0 : index
    %get3A_4 = vector.load %arg6[%get3A_2, %get3A_3] : memref<128x1xf32, #tpu.memory_space<vmem>>, vector<128x1xf32>
    %add3A = vector.broadcast %get3A_4 : vector<128x1xf32> to vector<128x2048xf32>
    %add3A_5 = arith.addf %get3A_1, %add3A : vector<128x2048xf32>
    %reduce_sum3A = arith.constant dense<0.000000e+00> : vector<2048xf32>
    %reduce_sum3A_6 = vector.multi_reduction <add>, %add3A_5, %reduce_sum3A [0] : vector<128x2048xf32> to vector<2048xf32>
    %broadcast_in_dim3A = vector.shape_cast %reduce_sum3A_6 : vector<2048xf32> to vector<1x2048xf32>
    %div3A = arith.constant 1.280000e+02 : f32
    %div3A_7 = vector.broadcast %div3A : f32 to vector<1x2048xf32>
    %div3A_8 = arith.divf %broadcast_in_dim3A, %div3A_7 : vector<1x2048xf32>
    %sub3A = vector.broadcast %div3A_8 : vector<1x2048xf32> to vector<128x2048xf32>
    %sub3A_9 = arith.subf %add3A_5, %sub3A : vector<128x2048xf32>
    %mul3A = arith.mulf %sub3A_9, %sub3A_9 : vector<128x2048xf32>
    %reduce_sum3A_10 = arith.constant dense<0.000000e+00> : vector<2048xf32>
    %reduce_sum3A_11 = vector.multi_reduction <add>, %mul3A, %reduce_sum3A_10 [0] : vector<128x2048xf32> to vector<2048xf32>
    %broadcast_in_dim3A_12 = vector.shape_cast %reduce_sum3A_11 : vector<2048xf32> to vector<1x2048xf32>
    %div3A_13 = arith.constant 1.280000e+02 : f32
    %div3A_14 = vector.broadcast %div3A_13 : f32 to vector<1x2048xf32>
    %div3A_15 = arith.divf %broadcast_in_dim3A_12, %div3A_14 : vector<1x2048xf32>
    %add3A_16 = arith.constant 9.99999974E-6 : f32
    %add3A_17 = vector.broadcast %add3A_16 : f32 to vector<1x2048xf32>
    %add3A_18 = arith.addf %div3A_15, %add3A_17 : vector<1x2048xf32>
    %rsqrt3A = math.rsqrt %add3A_18 : vector<1x2048xf32>
    %mul3A_19 = vector.broadcast %rsqrt3A : vector<1x2048xf32> to vector<128x2048xf32>
    %mul3A_20 = arith.mulf %sub3A_9, %mul3A_19 : vector<128x2048xf32>
    %get3A_21 = arith.constant 0 : index
    %get3A_22 = arith.constant 0 : index
    %get3A_23 = vector.load %arg7[%get3A_21, %get3A_22] : memref<128x1xf32, #tpu.memory_space<vmem>>, vector<128x1xf32>
    %mul3A_24 = vector.broadcast %get3A_23 : vector<128x1xf32> to vector<128x2048xf32>
    %mul3A_25 = arith.mulf %mul3A_20, %mul3A_24 : vector<128x2048xf32>
    %get3A_26 = arith.constant 0 : index
    %get3A_27 = arith.constant 0 : index
    %get3A_28 = vector.load %arg8[%get3A_26, %get3A_27] : memref<128x1xf32, #tpu.memory_space<vmem>>, vector<128x1xf32>
    %add3A_29 = vector.broadcast %get3A_28 : vector<128x1xf32> to vector<128x2048xf32>
    %add3A_30 = arith.addf %mul3A_25, %add3A_29 : vector<128x2048xf32>
    %get3A_31 = arith.constant 0 : index
    %get3A_32 = arith.constant 0 : index
    %get3A_33 = vector.load %arg5[%get3A_31, %get3A_32] : memref<128x128xf32, #tpu.memory_space<vmem>>, vector<128x128xf32>
    %get3A_34 = arith.constant 0 : index
    %get3A_35 = arith.constant 0 : index
    %get3A_36 = vector.load %arg3[%get3A_34, %get3A_35] : memref<128x100xf32, #tpu.memory_space<vmem>>, vector<128x100xf32>
    %dot_general3A = arith.constant dense<0.000000e+00> : vector<128x100xf32>
    %dot_general3A_37 = tpu.matmul %get3A_33, %get3A_36, %dot_general3A {dimension_numbers = #tpu.dot_dimension_numbers<[1], [0], [0], [1], [0, 0, 1, 1], [], []>, transpose_lhs_hint = false} : vector<128x128xf32>, vector<128x100xf32>, vector<128x100xf32> -> vector<128x100xf32>
    %iota3A = tpu.iota {dimensions = array<i32: 0>} : vector<100x2048xi32>
    %get3A_38 = arith.constant 0 : index
    %get3A_39 = arith.constant 0 : index
    %get3A_40 = vector.load %arg2[%get3A_38, %get3A_39] : memref<1x2048xi32, #tpu.memory_space<vmem>>, vector<1x2048xi32>
    %eq3A = vector.broadcast %get3A_40 : vector<1x2048xi32> to vector<100x2048xi32>
    %eq3A_41 = arith.cmpi eq, %eq3A, %iota3A : vector<100x2048xi32>
    %convert_element_type3A = arith.extui %eq3A_41 : vector<100x2048xi1> to vector<100x2048xi32>
    %convert_element_type3A_42 = arith.sitofp %convert_element_type3A : vector<100x2048xi32> to vector<100x2048xf32>
    %dot_general3A_43 = arith.constant dense<0.000000e+00> : vector<128x2048xf32>
    %dot_general3A_44 = tpu.matmul %dot_general3A_37, %convert_element_type3A_42, %dot_general3A_43 {dimension_numbers = #tpu.dot_dimension_numbers<[1], [0], [0], [1], [0, 0, 1, 1], [], []>, transpose_lhs_hint = false} : vector<128x100xf32>, vector<100x2048xf32>, vector<128x2048xf32> -> vector<128x2048xf32>
    %get3A_45 = arith.constant 0 : index
    %get3A_46 = arith.constant 0 : index
    %get3A_47 = vector.load %arg4[%get3A_45, %get3A_46] : memref<128x128xf32, #tpu.memory_space<vmem>>, vector<128x128xf32>
    %dot_general3A_48 = arith.constant dense<0.000000e+00> : vector<128x2048xf32>
    %dot_general3A_49 = tpu.matmul %get3A_47, %add3A_30, %dot_general3A_48 {dimension_numbers = #tpu.dot_dimension_numbers<[1], [0], [0], [1], [0, 0, 1, 1], [], []>, transpose_lhs_hint = false} : vector<128x128xf32>, vector<128x2048xf32>, vector<128x2048xf32> -> vector<128x2048xf32>
    %add3A_50 = arith.addf %dot_general3A_49, %dot_general3A_44 : vector<128x2048xf32>
    %get3A_51 = arith.constant 0 : index
    %get3A_52 = arith.constant 0 : index
    %get3A_53 = vector.load %arg9[%get3A_51, %get3A_52] : memref<128x1xf32, #tpu.memory_space<vmem>>, vector<128x1xf32>
    %add3A_54 = vector.broadcast %get3A_53 : vector<128x1xf32> to vector<128x2048xf32>
    %add3A_55 = arith.addf %add3A_50, %add3A_54 : vector<128x2048xf32>
    %logistic3A = arith.negf %add3A_55 : vector<128x2048xf32>
    %logistic3A_56 = math.exp %logistic3A : vector<128x2048xf32>
    %logistic3A_57 = arith.constant 1.000000e+00 : f32
    %logistic3A_58 = vector.broadcast %logistic3A_57 : f32 to vector<128x2048xf32>
    %logistic3A_59 = arith.addf %logistic3A_58, %logistic3A_56 : vector<128x2048xf32>
    %logistic3A_60 = arith.divf %logistic3A_58, %logistic3A_59 : vector<128x2048xf32>
    %mul3A_61 = arith.mulf %add3A_30, %logistic3A_60 : vector<128x2048xf32>
    %swap3A = arith.constant 0 : index
    %swap3A_62 = arith.constant 0 : index
    %swap3A_63 = vector.load %arg10[%swap3A, %swap3A_62] : memref<128x2048xf32, #tpu.memory_space<vmem>>, vector<128x2048xf32>
    tpu.vector_store %arg10[%swap3A, %swap3A_62], %mul3A_61 {strides = array<i32>} : memref<128x2048xf32, #tpu.memory_space<vmem>>, vector<128x2048xf32>,
    return
  }
  func.func @transform_0(%arg0: i32) -> (i32, i32) {
    %c0_i32 = arith.constant 0 : i32
    %c0_i32_0 = arith.constant 0 : i32
    return %c0_i32, %arg0 : i32, i32
  }
  func.func @transform_1(%arg0: i32) -> (i32, i32) {
    %c0_i32 = arith.constant 0 : i32
    %c0_i32_0 = arith.constant 0 : i32
    return %c0_i32, %arg0 : i32, i32
  }
  func.func @transform_2(%arg0: i32) -> (i32, i32) {
    %c0_i32 = arith.constant 0 : i32
    %c0_i32_0 = arith.constant 0 : i32
    %c0_i32_1 = arith.constant 0 : i32
    return %c0_i32, %c0_i32_0 : i32, i32
  }
  func.func @transform_3(%arg0: i32) -> (i32, i32) {
    %c0_i32 = arith.constant 0 : i32
    %c0_i32_0 = arith.constant 0 : i32
    %c0_i32_1 = arith.constant 0 : i32
    return %c0_i32, %c0_i32_0 : i32, i32
  }
  func.func @transform_4(%arg0: i32) -> (i32, i32) {
    %c0_i32 = arith.constant 0 : i32
    %c0_i32_0 = arith.constant 0 : i32
    %c0_i32_1 = arith.constant 0 : i32
    return %c0_i32, %c0_i32_0 : i32, i32
  }
  func.func @transform_5(%arg0: i32) -> (i32, i32) {
    %c0_i32 = arith.constant 0 : i32
    %c0_i32_0 = arith.constant 0 : i32
    %c0_i32_1 = arith.constant 0 : i32
    return %c0_i32, %c0_i32_0 : i32, i32
  }
  func.func @transform_6(%arg0: i32) -> (i32, i32) {
    %c0_i32 = arith.constant 0 : i32
    %c0_i32_0 = arith.constant 0 : i32
    %c0_i32_1 = arith.constant 0 : i32
    return %c0_i32, %c0_i32_0 : i32, i32
  }
  func.func @transform_7(%arg0: i32) -> (i32, i32) {
    %c0_i32 = arith.constant 0 : i32
    %c0_i32_0 = arith.constant 0 : i32
    %c0_i32_1 = arith.constant 0 : i32
    return %c0_i32, %c0_i32_0 : i32, i32
  }
  func.func @transform_8(%arg0: i32) -> (i32, i32) {
    %c0_i32 = arith.constant 0 : i32
    %c0_i32_0 = arith.constant 0 : i32
    %c0_i32_1 = arith.constant 0 : i32
    return %c0_i32, %c0_i32_0 : i32, i32
  }
  func.func @transform_9(%arg0: i32) -> (i32, i32) {
    %c0_i32 = arith.constant 0 : i32
    %c0_i32_0 = arith.constant 0 : i32
    return %c0_i32, %arg0 : i32, i32
  }
}

</mosaic_0001>

<sc_bundles>
// kernel: kernel.5.cloned.1.call-start
scs
__scs_entry_jumppad:
0x0: {  	(pc) =	sbr.rel $0x88, $3  }
0x1: {  	(tag) =	ssettag $0x0;
	lr =	simm.s32 $0x1  }
0x2: {  	[smem:$0x3F95] =	sst lr;
	_ =	strace $0xD0000000  }
0x3: {  	_ = 	snop  }
0x4: {  	_ = 	snop  }
0x5: {  	_ = 	snop  }
0x6: {  	_ = 	snop  }
0x7: {  	_ = 	snop  }
__scs_overlays_trampoline_lowered:
0x8: {  	[smem:$0x3FA4] =	sst s0  }
0x9: {  	[smem:$0x3FA5] =	sst s1  }
0xa: {  	[smem:$0x3FA6] =	sst s2  }
0xb: {  	[smem:$0x3FA7] =	sst s3  }
0xc: {  	[smem:$0x3FA8] =	sst s4  }
0xd: {  	[smem:$0x3FA9] =	sst s5  }
0xe: {  	[smem:$0x3FAA] =	sst s6  }
0xf: {  	[smem:$0x3FAB] =	sst s7  }
0x10: {  	[smem:$0x3FAC] =	sst s8  }
0x11: {  	[smem:$0x3FAD] =	sst s9;
	s0 =	simm.s32 @!p0 $0x0  }
0x12: {  	s1 =	sld [smem:$0x3F93];
	s0 =	simm.s32 @p0 $0x1  }
0x13: {  	[smem:$0x3FAE] =	sst s0;
	s0 =	simm.s32 @!p1 $0x0  }
0x14: {  	s2 =	sld [smem:$0x3F92];
	s0 =	simm.s32 @p1 $0x1  }
0x15: {  	[smem:$0x3FAF] =	sst s0;
	s0 =	simm.s32 @!p2 $0x0  }
0x16: {  	s3 =	sld [smem:$0x3FDB];
	s0 =	simm.s32 @p2 $0x1  }
0x17: {  	s4 =	simm.s32 $0x1BF5;
	[smem:$0x3FB1] =	sst s0  }
0x18: {  	s0 =	sld [smem:$0x3F94];
	_ =	swait.ge [sflag:s4], $0x0  }
0x19: {  	s7 =	sld [smem:$0x3F95]  }
0x1a: {  	s8 =	sadd.s32 $0xFFFFE003, lr  }
0x1b: {  	s9 =	sadd.s32 $0xFFFFFEF7, lr;
	s5 =	simm.s32 $0xFFFFFFFF;
	p2 =	slt.u32 s8, $0xFFFFF086  }
0x1c: {  	p1 =	slt.u32 s9, $0xF7A;
	s5 =	simm.s32 @!p2 $0x0  }
0x1d: {  	s5 =	simm.s32 @p1 $0x1;
	p0 =	seq.s32 s7, s2  }
0x1e: {  	s7 =	smul.u32 @!p0 $0xF7A, s2;
	p2 =	seq.s32 @!p0 s5, $0x0  }
0x1f: {  	s9 =	smul.u32 $0xF7A, s1;
	s8 =	simm.s32 @!p0 $0x1BF5;
	p2 =	por !p2, p0  }
0x20: {  	[sflag:s8] =	ssyncset.s32 @!p0 $0xFFFFF086;
	s6 =	sadd.s32 @!p0 s3, s7;
	s7 =	simm.s32 @!p0 $0x108  }
0x21: {  	s3 =	sadd.s32 s3, s9;
	s6 =	sadd.s32 @!p0 $0x88, s6;
	s7 =	simm.s32 @p2 $0x1082  }
0x22: {  	[simem:s7], [sflag:s8] =	dma.local @!p0 [hbm:s6], $0xF7A  }
0x23: {  	s9 =	sor.u32 $0xD0000000, s2;
	s6 =	simm.s32 $0x108;
	_ =	swait.ge @!p0 [sflag:s8], $0x0  }
0x24: {  	s3 =	sadd.s32 $0x88, s3;
	s6 =	simm.s32 @!p1 $0x1082;
	[sflag:s4] =	ssyncset.s32 $0xFFFFF086  }
0x25: {  	[simem:s6], [sflag:s4] =	dma.local [hbm:s3], $0xF7A  }
0x26: {  	[smem:$0x3F95] =	sst s1;
	(tag) =	ssettag s2;
	_ =	strace s9  }
0x27: {  	s1 =	sld [smem:$0x3FA5]  }
0x28: {  	s2 =	sld [smem:$0x3FA6]  }
0x29: {  	s4 =	sld [smem:$0x3FA8]  }
0x2a: {  	p0 =	seq.s32 s5, $0x0;
	s5 =	sld [smem:$0x3FA9]  }
0x2b: {  	s6 =	sld [smem:$0x3FAA]  }
0x2c: {  	s7 =	sld [smem:$0x3FAB]  }
0x2d: {  	s3 =	simm.s32 $0x108;
	s8 =	sld [smem:$0x3FAC]  }
0x2e: {  	s3 =	simm.s32 @!p0 $0x1082;
	s9 =	sld [smem:$0x3FAD]  }
0x2f: {  	lr =	sadd.s32 s0, s3;
	s0 =	sld [smem:$0x3FA4]  }
0x30: {  	s3 =	sld [smem:$0x3FA7]  }
0x31: {  	[smem:$0x3FB0] =	sst s10  }
0x32: {  	s10 =	sld [smem:$0x3FAE];
	_ =	sdelay $0x3  }
0x33: {  	p0 =	seq.s32 s10, $0x1;
	s10 =	sld [smem:$0x3FB0];
	_ =	sdelay $0x3  }
0x34: {  	[smem:$0x3FB0] =	sst s10  }
0x35: {  	s10 =	sld [smem:$0x3FAF];
	_ =	sdelay $0x3  }
0x36: {  	p1 =	seq.s32 s10, $0x1;
	s10 =	sld [smem:$0x3FB0];
	_ =	sdelay $0x3  }
0x37: {  	[smem:$0x3FB0] =	sst s10  }
0x38: {  	s10 =	sld [smem:$0x3FB1]  }
0x39: {  	_ = 	snop;
	(pc) =	sbr.ind lr, $3  }
0x3a: {  	_ = 	snop  }
0x3b: {  	_ = 	snop  }
0x3c: {  	p2 =	seq.s32 s10, $0x1;
	s10 =	sld [smem:$0x3FB0]  }
0x3d: {  	_ =	shalt  }
0x3e: {  	_ =	shalt  }
0x3f: {  	_ =	shalt  }
0x40: {  	_ =	shalt  }
0x41: {  	_ =	shalt  }
0x42: {  	_ =	shalt  }
0x43: {  	_ =	shalt  }
0x44: {  	_ =	shalt  }
0x45: {  	_ =	shalt  }
0x46: {  	_ =	shalt  }
0x47: {  	_ =	shalt  }
0x48: {  	_ =	shalt  }
0x49: {  	_ =	shalt  }
0x4a: {  	_ =	shalt  }
0x4b: {  	_ =	shalt  }
0x4c: {  	_ =	shalt  }
0x4d: {  	_ =	shalt  }
0x4e: {  	_ =	shalt  }
0x4f: {  	_ =	shalt  }
0x50: {  	_ =	shalt  }
0x51: {  	_ =	shalt  }
0x52: {  	_ =	shalt  }
0x53: {  	_ =	shalt  }
0x54: {  	_ =	shalt  }
0x55: {  	_ =	shalt  }
0x56: {  	_ =	shalt  }
0x57: {  	_ =	shalt  }
0x58: {  	_ =	shalt  }
0x59: {  	_ =	shalt  }
0x5a: {  	_ =	shalt  }
0x5b: {  	_ =	shalt  }
0x5c: {  	_ =	shalt  }
0x5d: {  	_ =	shalt  }
0x5e: {  	_ =	shalt  }
0x5f: {  	_ =	shalt  }
0x60: {  	_ =	shalt  }
0x61: {  	_ =	shalt  }
0x62: {  	_ =	shalt  }
0x63: {  	_ =	shalt  }
0x64: {  	_ =	shalt  }
0x65: {  	_ =	shalt  }
0x66: {  	_ =	shalt  }
0x67: {  	_ =	shalt  }
0x68: {  	_ =	shalt  }
0x69: {  	_ =	shalt  }
0x6a: {  	_ =	shalt  }
0x6b: {  	_ =	shalt  }
0x6c: {  	_ =	shalt  }
0x6d: {  	_ =	shalt  }
0x6e: {  	_ =	shalt  }
0x6f: {  	_ =	shalt  }
0x70: {  	_ =	shalt  }
0x71: {  	_ =	shalt  }
0x72: {  	_ =	shalt  }
0x73: {  	_ =	shalt  }
0x74: {  	_ =	shalt  }
0x75: {  	_ =	shalt  }
0x76: {  	_ =	shalt  }
0x77: {  	_ =	shalt  }
0x78: {  	_ =	shalt  }
0x79: {  	_ =	shalt  }
0x7a: {  	_ =	shalt  }
0x7b: {  	_ =	shalt  }
0x7c: {  	_ =	shalt  }
0x7d: {  	_ =	shalt  }
0x7e: {  	_ =	shalt  }
0x7f: {  	_ =	shalt  }
0x80: {  	_ =	shalt  }
0x81: {  	_ =	shalt  }
0x82: {  	_ =	shalt  }
0x83: {  	_ =	shalt  }
0x84: {  	_ =	shalt  }
0x85: {  	_ =	shalt  }
0x86: {  	_ =	shalt  }
0x87: {  	_ =	shalt  }
.Lfunc_end0:
.L_simem_size_0:
called_computation_lowered:
.L_overlay_start_0:
0x88: {  	s2 =	sld [smem:$0x3FD9]  }
0x89: {  	s3 =	sld [smem:$0x3FFE];
	_ =	sdelay $0x1  }
0x8a: {  	s1 =	srdreg.scid  }
0x8b: {  	s0 =	sand.u32 $0x1, s1  }
0x8c: {  	s17 =	sshll.u32 s0, $0xA;
	s2 =	sadd.s32 s3, s2  }
0x8d: {  	s2 =	sadd.s32 s2, s17  }
0x8e: {  	[smem:$0x3FBC] =	sst s2  }
0x8f: {  	_ = 	snop  }
0x90: {  	s2 =	sld [smem:$0x3FD0];
	(tm) =	ssettm $0x1  }
0x91: {  	s18 =	sld [smem:$0x3FFB];
	_ =	sdelay $0x3  }
0x92: {  	_ =	strace s18  }
0x93: {  	s3 =	sld [smem:$0x3FFC];
	_ =	sdelay $0x3  }
0x94: {  	_ =	strace s3  }
0x95: {  	s3 =	sld [smem:$0x3FFD];
	_ =	sdelay $0x3  }
0x96: {  	_ =	strace s3  }
0x97: {  	_ =	strace $0x8FFFFFFF  }
0x98: {  	s19 =	sld [smem:$0x3FDB];
	_ =	sdelay $0x1  }
0x99: {  	s4 =	simm.s32 $_scs_section_size  }
0x9a: {  	s5 =	simm.s32 $_size__tile_overlayer_lowered;
	s6 =	simm.s32 $_tile_overlayer_lowered  }
0x9b: {  	s22 =	simm.s32 $0x1BFF;
	s21 =	sshll.u32 s6, $0x1;
	s3 =	sadd.s32 s4, s19  }
0x9c: {  	s7 =	simm.s32 $0x0;
	s20 =	sshll.u32 s5, $0x1;
	s5 =	sadd.s32 s21, s3  }
0x9d: {  	[timem:s7], [sflag:s22] =	dma.local [hbm:s5], s20  }
0x9e: {  	_ =	swait.ge [sflag:s22], s20  }
0x9f: {  	s4 =	ssub.s32 $0x0, s20;
	[sflag:s22] =	ssyncset.done $0x0  }
0xa0: {  	[sflag:s22] =	ssyncadd.s32 s4;
	_ =	sdelay $0x1  }
0xa1: {  	s23 =	simm.s32 $0x1B8B  }
0xa2: {  	_ =	swait.ge [sflag:s23], $0x1  }
0xa3: {  	[sflag:s23] =	ssyncset.done $0x0  }
0xa4: {  	s25 =	simm.s32 $0x1B8E;
	s24 =	sld [smem:$0x3FFE];
	[sflag:s23] =	ssyncadd.s32 $0xFFFFFFFF  }
0xa5: {  	s26 =	simm.s32 $execute0_lowered;
	[smem:$0x3FD2] =	sst s25  }
0xa6: {  	s5 =	sshll.u32 s26, $0x1;
	_ =	strace $0x80000046;
	[dreg:$0x1] =	wrdreg $0xFFFFFFFF  }
0xa7: {  	s28 =	simm.s32 $_size_execute0_lowered;
	s3 =	sadd.s32 s3, s5;
	[dreg:$0x0] =	wrdreg $0x0  }
0xa8: {  	s5 =	sshll.u32 s28, $0x1;
	[dreg:$0x2] =	wrdreg s3  }
0xa9: {  	[dreg:$0x3] =	wrdreg s5  }
0xaa: {  	[dreg:$0x4] =	wrdreg $0xC0  }
0xab: {  	_ =	task [dreg:s7], $0x5FFFF  }
0xac: {  	[dreg:$0x1] =	wrdreg $0xFFFFFFFF  }
0xad: {  	[dreg:$0x0] =	wrdreg $0x60  }
0xae: {  	[dreg:$0x2] =	wrdreg s24  }
0xaf: {  	[dreg:$0x3] =	wrdreg s2  }
0xb0: {  	[dreg:$0x4] =	wrdreg $0x9  }
0xb1: {  	_ =	task.clear_ibuf [dreg:s7], $0x5FFFF;
	_ =	strace $0x90000046  }
0xb2: {  	s29 =	simm.s32 $0x9;
	_ =	strace $0x80000048  }
0xb3: {  	_ =	swait.ge [sflag:s29], $0x1  }
0xb4: {  	[sflag:s29] =	ssyncadd.s32 $0xFFFFFFFF  }
0xb5: {  	_ =	strace $0x90000048  }
0xb6: {  	_ =	sfence  }
0xb7: {  	s30 =	sld [smem:$0x0];
	_ =	sdelay $0x2  }
0xb8: {  	s31 =	sshll.u32 s1, $0xD;
	s1 =	sshrl.u32 s1, $0x2  }
0xb9: {  	s3 =	sand.u32 $0x4000, s31;
	s1 =	sadd.s32 s1, s30  }
0xba: {  	s0 =	sor.u32 s3, s0;
	s1 =	sshll.u32 s1, $0x11  }
0xbb: {  	s0 =	sor.u32 s1, s0  }
0xbc: {  	s0 =	sadd.s32 $0x8F2B, s0  }
0xbd: {  	[sflag:s0] =	ssyncadd.remote.s32 $0x1  }
0xbe: {  	_ =	sfence.sel $0xFFFF  }
0xbf: {  	[dreg:$0x0] =	wrdreg $0xFFFFFFFF;
	(pc) =	sbr.abs _section_cstart, $3  }
0xc0: {  	[dreg:$0x1] =	wrdreg $0xFFFFFFFF  }
0xc1: {  	_ =	task.clear_ibuf [dreg:s7], $0x2FFFF;
	_ =	strace $0x9FFFFFFF  }
0xc2: {  	(tm) =	ssettm $0x7FFFFFFF  }
0xc3: {  	_ =	shalt  }
tec
execute0_lowered:
.L_overlay_start_1:
0x0: {  	(tag) =	ssettag $0x1  }
0x1: {  	s0 =	srdreg.scid;
	s1 =	rddreg [dreg:$0x0]  }
0x2: {  	s6 =	stileid.u32;
	s2 =	rddreg [dreg:$0x1];
	s15 =	simm.s32 $0x80  }
0x3: {  	s16 =	simm.s32 $0x400;
	s17 =	simm.s32 $0x2;
	s18 =	simm.s32 $0x2800  }
0x4: {  	s19 =	simm.s32 $0x5000;
	s20 =	simm.s32 $0x7800;
	s28 =	simm.s32 $0xC800  }
0x5: {  	s29 =	simm.s32 $0xF000;
	s30 =	simm.s32 $0x11800;
	s0 =	sand.u32 $0x1, s0  }
0x6: {  	s31 =	simm.s32 $0x0;
	s7 =	sadd.s32 $0x1400, s1;
	s3 =	sshll.u32 s0, $0x4  }
0x7: {  	s1 =	sadd.s32 $0x2E400, s1;
	s0 =	ssub.s32 $0x2, s0;
	s4 =	sor.u32 s6, s3  }
0x8: {  	s3 =	simm.s32 $0x0;
	s6 =	sshll.u32 s6, $0x9;
	s8 =	sshrl.u32 s0, $0x1  }
0x9: {  	s5 =	sshrl.u32 s4, $0x1;
	[smem:$0x7FF] =	sst s3;
	s4 =	sshll.u32 s4, $0x1  }
0xa: {  	s6 =	sand.u32 $0x200, s6;
	s5 =	smul.u32 $0x14000, s5;
	s4 =	sand.u32 $0x30, s4  }
0xb: {  	s0 =	ssub.s32 s0, s8;
	_ =	strace $0x80000047;
	s4 =	sadd.s32 s4, s7  }
0xc: {  	s14 =	smax.u32 s0, $0x1;
	s5 =	sor.u32 s6, s5;
	s26 =	sadd.s32 $0x28000, s4  }
0xd: {  	s4 =	sadd.s32 $0x2A800, s4;
	s5 =	sshrl.u32 s5, $0x3;
	[dreg:$0x7] =	wrdreg s26  }
0xe: {  	[dreg:$0x8] =	wrdreg s4;
	s26 =	simm.s32 $0xA000;
	s21 =	sadd.s32 s7, s5  }
0xf: {  	s22 =	sor.u32 $0x10, s5;
	s24 =	sor.u32 $0x20, s5;
	s25 =	sor.u32 $0x30, s5  }
0x10: {  	s10 =	sadd.s32 s1, s5;
	[dreg:$0x3] =	wrdreg s21;
	s23 =	sadd.s32 s7, s22  }
0x11: {  	s9 =	sadd.s32 s7, s24;
	s7 =	sadd.s32 s7, s25;
	s11 =	sadd.s32 s1, s22  }
0x12: {  	s12 =	sadd.s32 s1, s24;
	s13 =	sadd.s32 s1, s25;
	[dreg:$0x4] =	wrdreg s23  }
0x13: {  	s21 =	simm.s32 $0x14000;
	s22 =	simm.s32 $0x16800;
	[dreg:$0x5] =	wrdreg s9  }
0x14: {  	v0 =	vimm.f32 $0.0e+00;
	s24 =	simm.s32 $0x1;
	s25 =	simm.s32 $0x19000;
	[dreg:$0x6] =	wrdreg s7  }
.LBB2_1:
0x15: {  	s0 =	rddreg [dreg:$0x3]  }
0x16: {  	[tilespmem:s3], [sflag:$0x2] =	stream.strided.gather [hbm4b:s0+s15], $0x2800, s16, s15, $0x38;
	[tilespmem:$0x1C800] =	vst v63  }
0x17: {  	_ =	swait.ge [sflag:s17], $0x2800  }
0x18: {  	[sflag:s17] =	ssyncset.done $0x0  }
0x19: {  	s6 =	rddreg [dreg:$0x4];
	[sflag:s17] =	ssyncadd.s32 $0xFFFFD800  }
0x1a: {  	[tilespmem:s18], [sflag:$0x2] =	stream.strided.gather [hbm4b:s6+s15], $0x2800, s16, s15, $0x38;
	[tilespmem:$0x1C800] =	vst v63  }
0x1b: {  	_ =	swait.ge [sflag:s17], $0x2800  }
0x1c: {  	[sflag:s17] =	ssyncset.done $0x0  }
0x1d: {  	s7 =	rddreg [dreg:$0x5];
	[sflag:s17] =	ssyncadd.s32 $0xFFFFD800  }
0x1e: {  	[tilespmem:s19], [sflag:$0x2] =	stream.strided.gather [hbm4b:s7+s15], $0x2800, s16, s15, $0x38;
	[tilespmem:$0x1C800] =	vst v63  }
0x1f: {  	_ =	swait.ge [sflag:s17], $0x2800  }
0x20: {  	[sflag:s17] =	ssyncset.done $0x0  }
0x21: {  	s8 =	rddreg [dreg:$0x6];
	[sflag:s17] =	ssyncadd.s32 $0xFFFFD800  }
0x22: {  	[tilespmem:s20], [sflag:$0x2] =	stream.strided.gather [hbm4b:s8+s15], $0x2800, s16, s15, $0x38;
	[tilespmem:$0x1C800] =	vst v63  }
0x23: {  	_ =	swait.ge [sflag:s17], $0x2800  }
0x24: {  	[sflag:s17] =	ssyncset.done $0x0  }
0x25: {  	s9 =	rddreg [dreg:$0x7];
	[sflag:s17] =	ssyncadd.s32 $0xFFFFD800  }
0x26: {  	[tilespmem:s21], [sflag:$0x2] =	stream.strided.gather [hbm4b:s9+s15], $0x2800, s16, s15, $0x38;
	[tilespmem:$0x1C800] =	vst v63  }
0x27: {  	_ =	swait.ge [sflag:s17], $0x2800  }
0x28: {  	[sflag:s17] =	ssyncset.done $0x0  }
0x29: {  	s23 =	rddreg [dreg:$0x8];
	[sflag:s17] =	ssyncadd.s32 $0xFFFFD800  }
0x2a: {  	[tilespmem:s22], [sflag:$0x2] =	stream.strided.gather [hbm4b:s23+s15], $0x2800, s16, s15, $0x38;
	[tilespmem:$0x1C800] =	vst v63  }
0x2b: {  	_ =	swait.ge [sflag:s17], $0x2800  }
0x2c: {  	[sflag:s17] =	ssyncset.done $0x0  }
0x2d: {  	s6 =	simm.s32 $0x19020;
	[sflag:s17] =	ssyncadd.s32 $0xFFFFD800  }
0x2e: {  	[tilespmem:s6+$0xFFFFFFF0] =	vst v0  }
0x2f: {  	[tilespmem:s6+$0x0] =	vst v0  }
0x30: {  	[tilespmem:s6+$0x10] =	vst v0  }
0x31: {  	s0 =	simm.s32 $0xA020;
	[tilespmem:s6+$0xFFFFFFE0] =	vst v0  }
0x32: {  	[tilespmem:s0+$0xFFFFFFF0] =	vst v0  }
0x33: {  	[tilespmem:s0+$0x0] =	vst v0  }
0x34: {  	[tilespmem:s0+$0x10] =	vst v0  }
0x35: {  	s1 =	simm.s32 $0xC820;
	[tilespmem:s0+$0xFFFFFFE0] =	vst v0  }
0x36: {  	[tilespmem:s1+$0xFFFFFFF0] =	vst v0  }
0x37: {  	[tilespmem:s1+$0x0] =	vst v0  }
0x38: {  	[tilespmem:s1+$0x10] =	vst v0  }
0x39: {  	s4 =	simm.s32 $0xF020;
	[tilespmem:s1+$0xFFFFFFE0] =	vst v0  }
0x3a: {  	[tilespmem:s4+$0xFFFFFFF0] =	vst v0  }
0x3b: {  	[tilespmem:s4+$0x0] =	vst v0  }
0x3c: {  	[tilespmem:s4+$0x10] =	vst v0  }
0x3d: {  	s5 =	simm.s32 $0x11820;
	[tilespmem:s4+$0xFFFFFFE0] =	vst v0  }
0x3e: {  	[tilespmem:s5+$0xFFFFFFF0] =	vst v0  }
0x3f: {  	[tilespmem:s5+$0x0] =	vst v0  }
0x40: {  	[tilespmem:s5+$0x10] =	vst v0  }
0x41: {  	s7 =	simm.s32 $0x19060;
	s6 =	simm.s32 $0x0;
	[tilespmem:s5+$0xFFFFFFE0] =	vst v0  }
.LBB2_2:
0x42: {  	[tilespmem:s7+$0xFFFFFFF0] =	vst v0;
	s0 =	sadd.s32 $0x40, s0  }
0x43: {  	s1 =	sadd.s32 $0x40, s1;
	[tilespmem:s0+$0xFFFFFFF0] =	vst v0  }
0x44: {  	s4 =	sadd.s32 $0x40, s4;
	[tilespmem:s1+$0xFFFFFFF0] =	vst v0  }
0x45: {  	s5 =	sadd.s32 $0x40, s5;
	[tilespmem:s4+$0xFFFFFFF0] =	vst v0  }
0x46: {  	[tilespmem:s5+$0xFFFFFFF0] =	vst v0  }
0x47: {  	[tilespmem:s7+$0x0] =	vst v0  }
0x48: {  	[tilespmem:s0+$0x0] =	vst v0  }
0x49: {  	[tilespmem:s1+$0x0] =	vst v0  }
0x4a: {  	[tilespmem:s4+$0x0] =	vst v0  }
0x4b: {  	[tilespmem:s5+$0x0] =	vst v0  }
0x4c: {  	[tilespmem:s7+$0x10] =	vst v0  }
0x4d: {  	[tilespmem:s0+$0x10] =	vst v0  }
0x4e: {  	[tilespmem:s1+$0x10] =	vst v0  }
0x4f: {  	s6 =	sadd.s32 $0x4, s6;
	[tilespmem:s4+$0x10] =	vst v0  }
0x50: {  	p0 =	slt.u32 s6, $0x27C;
	[tilespmem:s5+$0x10] =	vst v0  }
.Ltmp0:
0x51: {  	[tilespmem:s7+$0xFFFFFFE0] =	vst v0;
	(pc) =	sbr.rel @p0 .LBB2_2-.Ltmp0, $4  }
0x52: {  	[tilespmem:s0+$0xFFFFFFE0] =	vst v0  }
0x53: {  	[tilespmem:s1+$0xFFFFFFE0] =	vst v0  }
0x54: {  	[tilespmem:s4+$0xFFFFFFE0] =	vst v0  }
0x55: {  	s7 =	sadd.s32 $0x40, s7;
	[tilespmem:s5+$0xFFFFFFE0] =	vst v0  }
0x56: {  	s1 =	simm.s32 $0x0;
	s0 =	simm.s32 $0x1B800  }
0x57: {  	[tilespmem:s0], [sflag:$0x1] =	stream.linear.gather [hbm4b:s2+s1], $0x7D0, $0x38;
	[tilespmem:$0x1C800] =	vst v63  }
.LBB2_4:
0x58: {  	s0 =	smov.u32 s1  }
0x59: {  	s1 =	sadd.s32 $0x1, s1;
	p0 =	seq.s32 s0, $0x9F  }
0x5a: {  	s4 =	sand.u32 @!p0 $0x1, s1  }
0x5b: {  	p1 =	seq.s32 @!p0 s4, $0x1;
	s4 =	smul.u32 @!p0 $0xFA, s1  }
0x5c: {  	s0 =	sand.u32 $0x1, s0;
	s5 =	simm.s32 @!p0 $0x1BFD0;
	p1 =	por !p1, p0  }
0x5d: {  	s6 =	simm.s32 @!p0 $0x0;
	s5 =	simm.s32 @p1 $0x1B800;
	s4 =	sadd.s32 @!p0 s2, s4  }
0x5e: {  	[tilespmem:s5], [sflag:$0x1] =	stream.linear.gather @!p0 [hbm4b:s4+s6], $0x7D0, $0x38;
	[tilespmem:$0x1C800] =	vst v63  }
0x5f: {  	p0 =	seq.s32 s0, $0x1;
	s0 =	simm.s32 $0x7D0;
	_ =	swait.ge [sflag:s24], $0x7D0  }
0x60: {  	s0 =	simm.s32 @!p0 $0x0;
	[sflag:s24] =	ssyncset.done $0x0  }
0x61: {  	s9 =	sadd.s32 $0x1B810, s0;
	[sflag:s24] =	ssyncadd.s32 $0xFFFFF830  }
0x62: {  	v1 =	vld [tilespmem:s9+$0x0];
	_ =	sdelay $0x4  }
0x63: {  	v2 =	vld [tilespmem:s9+$0xFFFFFFF0];
	v6 =	vand.u32 $0xFFFF, v1  }
0x64: {  	v7 =	vshrl.u32 v1, $0x10;
	_ =	sdelay $0x3  }
0x65: {  	v13 =	vand.u32 $0xFFFF, v2;
	v3 =	vld.idx.msk [tilespmem:v6+s21+$0x0], $0xffff  }
0x66: {  	v1 =	vshrl.u32 v2, $0x10;
	v4 =	vld.idx.msk [tilespmem:v7+s22+$0x0], $0xffff;
	_ =	sdelay $0x3  }
0x67: {  	v2 =	vld.idx.msk [tilespmem:v13+s21+$0x0], $0xffff  }
0x68: {  	v3 =	vadd.f32 v4, v3;
	v4 =	vld.idx.msk [tilespmem:v1+s22+$0x0], $0xffff;
	_ =	sdelay $0x1  }
0x69: {  	v5 =	vmul.f32 $2.000000030e-01, v3  }
0x6a: {  	s4 =	sadd.s32 $0x20, s9  }
0x6b: {  	v3 =	vmax.f32 v3, v5;
	v5 =	vld [tilespmem:s4+$0x0]  }
0x6c: {  	v3 =	vmul.f32 $1.442695020e+00, v3;
	v2 =	vadd.f32 v4, v2;
	_ =	sdelay $0x1  }
0x6d: {  	(erf) = vpow2.f32 v3;
	v3 =	vmul.f32 $2.000000030e-01, v2;
	_ =	sdelay $0x1  }
0x6e: {  	v2 =	vmax.f32 v2, v3;
	v11 =	vand.u32 $0xFFFF, v5  }
0x6f: {  	v4 =	vld [tilespmem:s4+$0xFFFFFFF0];
	v14 =	vshrl.u32 v5, $0x10;
	v2 =	vmul.f32 $1.442695020e+00, v2;
	_ =	sdelay $0x1  }
0x70: {  	(erf) = vpow2.f32 v2;
	_ =	sdelay $0x1  }
0x71: {  	v5 =	vld.idx.msk [tilespmem:v11+s21+$0x0], $0xffff  }
0x72: {  	v3 =	vand.u32 $0xFFFF, v4;
	v8 =	vld.idx.msk [tilespmem:v14+s22+$0x0], $0xffff  }
0x73: {  	v2 =	vshrl.u32 v4, $0x10;
	v10 =	vpop (erf)  }
0x74: {  	[tilespmem:v7+s25+$0x0] =	vst.idx.add.f32.msk $0xffff, v10  }
0x75: {  	v4 =	vld.idx.msk [tilespmem:v6+s3+$0x0], $0xffff;
	_ =	sdelay $0x1  }
0x76: {  	v9 =	vld.idx.msk [tilespmem:v3+s21+$0x0], $0xffff;
	v5 =	vadd.f32 v8, v5  }
0x77: {  	v12 =	vld.idx.msk [tilespmem:v2+s22+$0x0], $0xffff;
	v19 =	vpop (erf)  }
0x78: {  	v15 =	vmul.f32 $2.000000030e-01, v5;
	[tilespmem:v1+s25+$0x0] =	vst.idx.add.f32.msk $0xffff, v19  }
0x79: {  	s4 =	sadd.s32 $0x20, s4;
	v4 =	vmul.f32 v10, v4;
	v8 =	vld.idx.msk [tilespmem:v13+s3+$0x0], $0xffff  }
0x7a: {  	v5 =	vmax.f32 v5, v15;
	v15 =	vld [tilespmem:s4+$0x0]  }
0x7b: {  	[tilespmem:v7+s26+$0x0] =	vst.idx.add.f32.msk $0xffff, v4  }
0x7c: {  	v9 =	vadd.f32 v12, v9;
	v5 =	vmul.f32 $1.442695020e+00, v5;
	v4 =	vld.idx.msk [tilespmem:v6+s18+$0x0], $0xffff;
	_ =	sdelay $0x1  }
0x7d: {  	(erf) = vpow2.f32 v5;
	v5 =	vmul.f32 $2.000000030e-01, v9  }
0x7e: {  	v17 =	vand.u32 $0xFFFF, v15  }
0x7f: {  	v12 =	vld [tilespmem:s4+$0xFFFFFFF0];
	v8 =	vmul.f32 v19, v8;
	v5 =	vmax.f32 v9, v5;
	v9 =	vshrl.u32 v15, $0x10  }
0x80: {  	v4 =	vmul.f32 v10, v4  }
0x81: {  	[tilespmem:v1+s26+$0x0] =	vst.idx.add.f32.msk $0xffff, v8  }
0x82: {  	v5 =	vmul.f32 $1.442695020e+00, v5;
	[tilespmem:v7+s28+$0x0] =	vst.idx.add.f32.msk $0xffff, v4  }
0x83: {  	v16 =	vld.idx.msk [tilespmem:v17+s21+$0x0], $0xffff  }
0x84: {  	(erf) = vpow2.f32 v5;
	v5 =	vand.u32 $0xFFFF, v12;
	v18 =	vld.idx.msk [tilespmem:v9+s22+$0x0], $0xffff  }
0x85: {  	v8 =	vld.idx.msk [tilespmem:v6+s19+$0x0], $0xffff  }
0x86: {  	v4 =	vshrl.u32 v12, $0x10  }
0x87: {  	v15 =	vld.idx.msk [tilespmem:v13+s18+$0x0], $0xffff;
	v20 =	vpop (erf)  }
0x88: {  	[tilespmem:v14+s25+$0x0] =	vst.idx.add.f32.msk $0xffff, v20  }
0x89: {  	v21 =	vld.idx.msk [tilespmem:v5+s21+$0x0], $0xffff  }
0x8a: {  	v12 =	vld.idx.msk [tilespmem:v11+s3+$0x0], $0xffff;
	v16 =	vadd.f32 v18, v16;
	v8 =	vmul.f32 v8, v10  }
0x8b: {  	v22 =	vld.idx.msk [tilespmem:v4+s22+$0x0], $0xffff  }
0x8c: {  	v23 =	vmul.f32 $2.000000030e-01, v16;
	[tilespmem:v7+s29+$0x0] =	vst.idx.add.f32.msk $0xffff, v8  }
0x8d: {  	s4 =	sadd.s32 $0x20, s4;
	v8 =	vld.idx.msk [tilespmem:v6+s20+$0x0], $0xffff  }
0x8e: {  	v6 =	vpop (erf);
	v16 =	vmax.f32 v16, v23;
	v23 =	vld [tilespmem:s4+$0x0]  }
0x8f: {  	v12 =	vmul.f32 v20, v12;
	[tilespmem:v2+s25+$0x0] =	vst.idx.add.f32.msk $0xffff, v6;
	v16 =	vmul.f32 $1.442695020e+00, v16  }
0x90: {  	v18 =	vld.idx.msk [tilespmem:v3+s3+$0x0], $0xffff  }
0x91: {  	v15 =	vmul.f32 v19, v15;
	[tilespmem:v14+s26+$0x0] =	vst.idx.add.f32.msk $0xffff, v12;
	(erf) = vpow2.f32 v16  }
0x92: {  	v12 =	vld.idx.msk [tilespmem:v11+s18+$0x0], $0xffff;
	v8 =	vmul.f32 v8, v10  }
0x93: {  	[tilespmem:v1+s28+$0x0] =	vst.idx.add.f32.msk $0xffff, v15;
	v10 =	vadd.f32 v22, v21  }
0x94: {  	[tilespmem:v7+s30+$0x0] =	vst.idx.add.f32.msk $0xffff, v8  }
0x95: {  	v7 =	vmul.f32 $2.000000030e-01, v10;
	v8 =	vld [tilespmem:s4+$0xFFFFFFF0];
	v15 =	vmul.f32 v6, v18  }
0x96: {  	v16 =	vld.idx.msk [tilespmem:v13+s19+$0x0], $0xffff  }
0x97: {  	v7 =	vmax.f32 v10, v7;
	v10 =	vmul.f32 v20, v12;
	v12 =	vand.u32 $0xFFFF, v23;
	[tilespmem:v2+s26+$0x0] =	vst.idx.add.f32.msk $0xffff, v15  }
0x98: {  	v15 =	vmul.f32 $1.442695020e+00, v7;
	v18 =	vld.idx.msk [tilespmem:v3+s18+$0x0], $0xffff  }
0x99: {  	v7 =	vshrl.u32 v23, $0x10;
	[tilespmem:v14+s28+$0x0] =	vst.idx.add.f32.msk $0xffff, v10  }
0x9a: {  	(erf) = vpow2.f32 v15;
	v15 =	vld.idx.msk [tilespmem:v11+s19+$0x0], $0xffff;
	v10 =	vand.u32 $0xFFFF, v8;
	v26 =	vpop (erf)  }
0x9b: {  	v8 =	vshrl.u32 v8, $0x10;
	[tilespmem:v9+s25+$0x0] =	vst.idx.add.f32.msk $0xffff, v26  }
0x9c: {  	v21 =	vld.idx.msk [tilespmem:v12+s21+$0x0], $0xffff  }
0x9d: {  	v23 =	vld.idx.msk [tilespmem:v17+s3+$0x0], $0xffff  }
0x9e: {  	v22 =	vld.idx.msk [tilespmem:v7+s22+$0x0], $0xffff  }
0x9f: {  	v18 =	vmul.f32 v6, v18;
	v24 =	vld.idx.msk [tilespmem:v10+s21+$0x0], $0xffff  }
0xa0: {  	v15 =	vmul.f32 v15, v20;
	v25 =	vld.idx.msk [tilespmem:v8+s22+$0x0], $0xffff  }
0xa1: {  	[tilespmem:v2+s28+$0x0] =	vst.idx.add.f32.msk $0xffff, v18  }
0xa2: {  	[tilespmem:v14+s29+$0x0] =	vst.idx.add.f32.msk $0xffff, v15;
	v23 =	vmul.f32 v26, v23  }
0xa3: {  	v15 =	vld.idx.msk [tilespmem:v11+s20+$0x0], $0xffff;
	v21 =	vadd.f32 v22, v21  }
0xa4: {  	v11 =	vpop (erf);
	[tilespmem:v9+s26+$0x0] =	vst.idx.add.f32.msk $0xffff, v23  }
0xa5: {  	[tilespmem:v4+s25+$0x0] =	vst.idx.add.f32.msk $0xffff, v11;
	v18 =	vmul.f32 $2.000000030e-01, v21  }
0xa6: {  	v22 =	vld.idx.msk [tilespmem:v5+s3+$0x0], $0xffff  }
0xa7: {  	s23 =	sadd.s32 $0x20, s4;
	v16 =	vmul.f32 v16, v19;
	v23 =	vld.idx.msk [tilespmem:v17+s18+$0x0], $0xffff;
	v18 =	vmax.f32 v21, v18  }
0xa8: {  	v15 =	vmul.f32 v15, v20;
	v20 =	vld [tilespmem:s23+$0x0];
	v18 =	vmul.f32 $1.442695020e+00, v18  }
0xa9: {  	[tilespmem:v1+s29+$0x0] =	vst.idx.add.f32.msk $0xffff, v16  }
0xaa: {  	[tilespmem:v14+s30+$0x0] =	vst.idx.add.f32.msk $0xffff, v15;
	v15 =	vadd.f32 v25, v24;
	(erf) = vpow2.f32 v18  }
0xab: {  	v21 =	vld [tilespmem:s23+$0xFFFFFFF0];
	v14 =	vmul.f32 v11, v22  }
0xac: {  	v27 =	vld.idx.msk [tilespmem:v13+s20+$0x0], $0xffff;
	v18 =	vmul.f32 $2.000000030e-01, v15  }
0xad: {  	v23 =	vmul.f32 v26, v23;
	[tilespmem:v4+s26+$0x0] =	vst.idx.add.f32.msk $0xffff, v14;
	v14 =	vand.u32 $0xFFFF, v20  }
0xae: {  	v22 =	vld.idx.msk [tilespmem:v3+s19+$0x0], $0xffff;
	v15 =	vmax.f32 v15, v18;
	v18 =	vshrl.u32 v20, $0x10  }
0xaf: {  	[tilespmem:v9+s28+$0x0] =	vst.idx.add.f32.msk $0xffff, v23;
	v16 =	vmul.f32 $1.442695020e+00, v15  }
0xb0: {  	v20 =	vld.idx.msk [tilespmem:v17+s19+$0x0], $0xffff;
	v15 =	vand.u32 $0xFFFF, v21  }
0xb1: {  	v24 =	vld.idx.msk [tilespmem:v5+s18+$0x0], $0xffff;
	(erf) = vpow2.f32 v16  }
0xb2: {  	v23 =	vld.idx.msk [tilespmem:v14+s21+$0x0], $0xffff  }
0xb3: {  	v25 =	vld.idx.msk [tilespmem:v18+s22+$0x0], $0xffff;
	v16 =	vpop (erf)  }
0xb4: {  	[tilespmem:v7+s25+$0x0] =	vst.idx.add.f32.msk $0xffff, v16  }
0xb5: {  	v13 =	vshrl.u32 v21, $0x10;
	v20 =	vmul.f32 v20, v26;
	v21 =	vld.idx.msk [tilespmem:v15+s21+$0x0], $0xffff  }
0xb6: {  	v24 =	vmul.f32 v11, v24;
	v28 =	vld.idx.msk [tilespmem:v12+s3+$0x0], $0xffff  }
0xb7: {  	[tilespmem:v9+s29+$0x0] =	vst.idx.add.f32.msk $0xffff, v20  }
0xb8: {  	[tilespmem:v4+s28+$0x0] =	vst.idx.add.f32.msk $0xffff, v24  }
0xb9: {  	v29 =	vld.idx.msk [tilespmem:v17+s20+$0x0], $0xffff  }
0xba: {  	v24 =	vld.idx.msk [tilespmem:v13+s22+$0x0], $0xffff;
	v17 =	vpop (erf)  }
0xbb: {  	v25 =	vadd.f32 v25, v23;
	v28 =	vmul.f32 v16, v28;
	[tilespmem:v8+s25+$0x0] =	vst.idx.add.f32.msk $0xffff, v17  }
0xbc: {  	v23 =	vld.idx.msk [tilespmem:v10+s3+$0x0], $0xffff  }
0xbd: {  	v19 =	vmul.f32 v27, v19;
	v27 =	vmul.f32 $2.000000030e-01, v25;
	[tilespmem:v7+s26+$0x0] =	vst.idx.add.f32.msk $0xffff, v28  }
0xbe: {  	s5 =	sadd.s32 $0x20, s23;
	s4 =	simm.s32 $0x8;
	v20 =	vmul.f32 v22, v6;
	v26 =	vmul.f32 v29, v26;
	v22 =	vld.idx.msk [tilespmem:v12+s18+$0x0], $0xffff  }
.LBB2_5:
0xbf: {  	v28 =	vld [tilespmem:s5+$0x0];
	v21 =	vadd.f32 v24, v21;
	v24 =	vmax.f32 v25, v27  }
0xc0: {  	v24 =	vmul.f32 $1.442695020e+00, v24;
	[tilespmem:v9+s30+$0x0] =	vst.idx.add.f32.msk $0xffff, v26;
	v9 =	vmov v7;
	v7 =	vmov v18  }
0xc1: {  	v23 =	vmul.f32 v17, v23;
	v18 =	vld [tilespmem:s5+$0xFFFFFFF0];
	v25 =	vmul.f32 $2.000000030e-01, v21  }
0xc2: {  	(erf) = vpow2.f32 v24;
	v24 =	vld.idx.msk [tilespmem:v5+s19+$0x0], $0xffff  }
0xc3: {  	s4 =	sadd.s32 $0x2, s4;
	v21 =	vmax.f32 v21, v25;
	[tilespmem:v8+s26+$0x0] =	vst.idx.add.f32.msk $0xffff, v23  }
0xc4: {  	p0 =	slt.u32 s4, $0x7A;
	v22 =	vmul.f32 v16, v22;
	v21 =	vmul.f32 $1.442695020e+00, v21;
	v23 =	vld.idx.msk [tilespmem:v10+s18+$0x0], $0xffff  }
0xc5: {  	v25 =	vand.u32 $0xFFFF, v28;
	[tilespmem:v2+s29+$0x0] =	vst.idx.add.f32.msk $0xffff, v20  }
0xc6: {  	v26 =	vshrl.u32 v18, $0x10;
	v27 =	vand.u32 $0xFFFF, v18;
	v18 =	vshrl.u32 v28, $0x10;
	[tilespmem:v9+s28+$0x0] =	vst.idx.add.f32.msk $0xffff, v22  }
0xc7: {  	(erf) = vpow2.f32 v21;
	v21 =	vld.idx.msk [tilespmem:v12+s19+$0x0], $0xffff  }
0xc8: {  	v20 =	vmul.f32 v24, v11;
	v22 =	vld.idx.msk [tilespmem:v3+s20+$0x0], $0xffff;
	v3 =	vmovc v5;
	v5 =	vmovc v10;
	v10 =	vmov v15;
	v15 =	vmov v27  }
0xc9: {  	[tilespmem:v1+s30+$0x0] =	vst.idx.add.f32.msk $0xffff, v19;
	v1 =	vmovc v2;
	v2 =	vmovc v4;
	v4 =	vmov v8;
	v8 =	vmov v13;
	v13 =	vmov v26  }
0xca: {  	v27 =	vmul.f32 v17, v23;
	v26 =	vld.idx.msk [tilespmem:v25+s21+$0x0], $0xffff  }
0xcb: {  	v23 =	vld.idx.msk [tilespmem:v18+s22+$0x0], $0xffff;
	v28 =	vpop (erf)  }
0xcc: {  	[tilespmem:v7+s25+$0x0] =	vst.idx.add.f32.msk $0xffff, v28  }
0xcd: {  	v24 =	vmul.f32 v21, v16;
	v29 =	vld.idx.msk [tilespmem:v14+s3+$0x0], $0xffff  }
0xce: {  	v19 =	vmul.f32 v22, v6;
	v6 =	vmov v11;
	v11 =	vmov v17;
	v21 =	vld.idx.msk [tilespmem:v15+s21+$0x0], $0xffff  }
0xcf: {  	[tilespmem:v9+s29+$0x0] =	vst.idx.add.f32.msk $0xffff, v24  }
0xd0: {  	v17 =	vpop (erf);
	v30 =	vld.idx.msk [tilespmem:v12+s20+$0x0], $0xffff;
	v12 =	vmov v14;
	v14 =	vmov v25  }
0xd1: {  	v24 =	vld.idx.msk [tilespmem:v13+s22+$0x0], $0xffff  }
.Ltmp1:
0xd2: {  	[tilespmem:v8+s25+$0x0] =	vst.idx.add.f32.msk $0xffff, v17;
	(pc) =	sbr.rel @p0 .LBB2_5-.Ltmp1, $4  }
0xd3: {  	v25 =	vadd.f32 v23, v26;
	v22 =	vmul.f32 v28, v29;
	v23 =	vld.idx.msk [tilespmem:v10+s3+$0x0], $0xffff  }
0xd4: {  	[tilespmem:v4+s28+$0x0] =	vst.idx.add.f32.msk $0xffff, v27  }
0xd5: {  	v27 =	vmul.f32 $2.000000030e-01, v25;
	[tilespmem:v7+s26+$0x0] =	vst.idx.add.f32.msk $0xffff, v22  }
0xd6: {  	s5 =	sadd.s32 $0x20, s5;
	v26 =	vmul.f32 v30, v16;
	v16 =	vmov v28;
	v22 =	vld.idx.msk [tilespmem:v12+s18+$0x0], $0xffff  }
0xd7: {  	v21 =	vadd.f32 v24, v21;
	_ =	sdelay $0x1  }
0xd8: {  	v47 =	vmax.f32 v25, v27;
	v48 =	vmul.f32 $2.000000030e-01, v21  }
0xd9: {  	v24 =	vmul.f32 $1.442695020e+00, v47  }
0xda: {  	v21 =	vmax.f32 v21, v48  }
0xdb: {  	(erf) = vpow2.f32 v24;
	v21 =	vmul.f32 $1.442695020e+00, v21;
	_ =	sdelay $0x1  }
0xdc: {  	(erf) = vpow2.f32 v21;
	_ =	sdelay $0x2  }
0xdd: {  	v49 =	vld.idx.msk [tilespmem:v5+s19+$0x0], $0xffff  }
0xde: {  	[tilespmem:v2+s29+$0x0] =	vst.idx.add.f32.msk $0xffff, v20  }
0xdf: {  	[tilespmem:v1+s30+$0x0] =	vst.idx.add.f32.msk $0xffff, v19  }
0xe0: {  	[tilespmem:v9+s30+$0x0] =	vst.idx.add.f32.msk $0xffff, v26  }
0xe1: {  	v3 =	vld.idx.msk [tilespmem:v3+s20+$0x0], $0xffff;
	v50 =	vpop (erf)  }
0xe2: {  	[tilespmem:v18+s25+$0x0] =	vst.idx.add.f32.msk $0xffff, v50  }
0xe3: {  	v51 =	vld.idx.msk [tilespmem:v14+s3+$0x0], $0xffff;
	v52 =	vpop (erf)  }
0xe4: {  	v23 =	vmul.f32 v17, v23;
	[tilespmem:v13+s25+$0x0] =	vst.idx.add.f32.msk $0xffff, v52  }
0xe5: {  	v53 =	vld.idx.msk [tilespmem:v15+s3+$0x0], $0xffff  }
0xe6: {  	[tilespmem:v8+s26+$0x0] =	vst.idx.add.f32.msk $0xffff, v23;
	v22 =	vmul.f32 v16, v22  }
0xe7: {  	v23 =	vld.idx.msk [tilespmem:v10+s18+$0x0], $0xffff  }
0xe8: {  	[tilespmem:v7+s28+$0x0] =	vst.idx.add.f32.msk $0xffff, v22;
	v54 =	vmul.f32 v50, v51  }
0xe9: {  	v55 =	vld.idx.msk [tilespmem:v12+s19+$0x0], $0xffff  }
0xea: {  	[tilespmem:v18+s26+$0x0] =	vst.idx.add.f32.msk $0xffff, v54;
	v56 =	vmul.f32 v52, v53  }
0xeb: {  	v22 =	vld.idx.msk [tilespmem:v14+s18+$0x0], $0xffff  }
0xec: {  	v9 =	vmul.f32 v49, v11;
	[tilespmem:v13+s26+$0x0] =	vst.idx.add.f32.msk $0xffff, v56  }
0xed: {  	v20 =	vld.idx.msk [tilespmem:v15+s18+$0x0], $0xffff  }
0xee: {  	[tilespmem:v4+s29+$0x0] =	vst.idx.add.f32.msk $0xffff, v9;
	v23 =	vmul.f32 v17, v23  }
0xef: {  	v59 =	vld.idx.msk [tilespmem:v5+s20+$0x0], $0xffff  }
0xf0: {  	[tilespmem:v8+s28+$0x0] =	vst.idx.add.f32.msk $0xffff, v23;
	v22 =	vmul.f32 v50, v22  }
0xf1: {  	v23 =	vld.idx.msk [tilespmem:v10+s19+$0x0], $0xffff  }
0xf2: {  	[tilespmem:v18+s28+$0x0] =	vst.idx.add.f32.msk $0xffff, v22;
	v20 =	vmul.f32 v52, v20  }
0xf3: {  	v22 =	vld.idx.msk [tilespmem:v14+s19+$0x0], $0xffff  }
0xf4: {  	v24 =	vmul.f32 v55, v16;
	[tilespmem:v13+s28+$0x0] =	vst.idx.add.f32.msk $0xffff, v20  }
0xf5: {  	v20 =	vld.idx.msk [tilespmem:v15+s19+$0x0], $0xffff  }
0xf6: {  	[tilespmem:v7+s29+$0x0] =	vst.idx.add.f32.msk $0xffff, v24;
	v60 =	vmul.f32 v23, v17  }
0xf7: {  	v57 =	vld.idx.msk [tilespmem:v12+s20+$0x0], $0xffff  }
0xf8: {  	[tilespmem:v8+s29+$0x0] =	vst.idx.add.f32.msk $0xffff, v60;
	v58 =	vmul.f32 v22, v50  }
0xf9: {  	v62 =	vld.idx.msk [tilespmem:v10+s20+$0x0], $0xffff  }
0xfa: {  	[tilespmem:v18+s29+$0x0] =	vst.idx.add.f32.msk $0xffff, v58;
	v61 =	vmul.f32 v20, v52  }
0xfb: {  	v9 =	vld.idx.msk [tilespmem:v14+s20+$0x0], $0xffff  }
0xfc: {  	v1 =	vmul.f32 v3, v6;
	[tilespmem:v13+s29+$0x0] =	vst.idx.add.f32.msk $0xffff, v61  }
0xfd: {  	v14 =	vld.idx.msk [tilespmem:v15+s20+$0x0], $0xffff  }
0xfe: {  	[tilespmem:v2+s30+$0x0] =	vst.idx.add.f32.msk $0xffff, v1;
	v1 =	vmul.f32 v59, v11  }
0xff: {  	v12 =	vmul.f32 v57, v16  }
0x100: {  	[tilespmem:v4+s30+$0x0] =	vst.idx.add.f32.msk $0xffff, v1;
	v2 =	vmul.f32 v62, v17  }
0x101: {  	[tilespmem:v7+s30+$0x0] =	vst.idx.add.f32.msk $0xffff, v12;
	v3 =	vmul.f32 v9, v50  }
0x102: {  	[tilespmem:v8+s30+$0x0] =	vst.idx.add.f32.msk $0xffff, v2;
	v1 =	vmul.f32 v14, v52  }
0x103: {  	[tilespmem:v18+s30+$0x0] =	vst.idx.add.f32.msk $0xffff, v3  }
0x104: {  	[tilespmem:v13+s30+$0x0] =	vst.idx.add.f32.msk $0xffff, v1  }
0x105: {  	v1 =	vld [tilespmem:s0+$0x1BFC0];
	_ =	sdelay $0x4  }
0x106: {  	v2 =	vand.u32 $0xFFFF, v1  }
0x107: {  	v1 =	vshrl.u32 v1, $0x10;
	_ =	sdelay $0x3  }
0x108: {  	v3 =	vld.idx.msk [tilespmem:v2+s21+$0x0], $0xffff  }
0x109: {  	v4 =	vld.idx.msk [tilespmem:v1+s22+$0x0], $0xffff;
	_ =	sdelay $0x4  }
0x10a: {  	v3 =	vadd.f32 v4, v3;
	_ =	sdelay $0x1  }
0x10b: {  	v4 =	vmul.f32 $2.000000030e-01, v3;
	_ =	sdelay $0x1  }
0x10c: {  	v3 =	vmax.f32 v3, v4  }
0x10d: {  	v3 =	vmul.f32 $1.442695020e+00, v3;
	_ =	sdelay $0x1  }
0x10e: {  	(erf) = vpow2.f32 v3;
	_ =	sdelay $0x8  }
0x10f: {  	v3 =	vpop (erf)  }
0x110: {  	[tilespmem:v1+s25+$0x0] =	vst.idx.add.f32.msk $0xffff, v3  }
0x111: {  	v63 =	vld.idx.msk [tilespmem:v2+s3+$0x0], $0xffff;
	_ =	sdelay $0x4  }
0x112: {  	v4 =	vmul.f32 v3, v63;
	_ =	sdelay $0x1  }
0x113: {  	[tilespmem:v1+s26+$0x0] =	vst.idx.add.f32.msk $0xffff, v4  }
0x114: {  	v4 =	vld.idx.msk [tilespmem:v2+s18+$0x0], $0xffff;
	_ =	sdelay $0x4  }
0x115: {  	v4 =	vmul.f32 v3, v4;
	_ =	sdelay $0x1  }
0x116: {  	[tilespmem:v1+s28+$0x0] =	vst.idx.add.f32.msk $0xffff, v4  }
0x117: {  	v4 =	vld.idx.msk [tilespmem:v2+s19+$0x0], $0xffff;
	_ =	sdelay $0x4  }
0x118: {  	v4 =	vmul.f32 v4, v3;
	_ =	sdelay $0x1  }
0x119: {  	[tilespmem:v1+s29+$0x0] =	vst.idx.add.f32.msk $0xffff, v4  }
0x11a: {  	v2 =	vld.idx.msk [tilespmem:v2+s20+$0x0], $0xffff;
	_ =	sdelay $0x1  }
0x11b: {  	p0 =	sne.s32 s1, $0xA0  }
.Ltmp2:
0x11c: {  	_ = 	snop;
	(pc) =	sbr.rel @p0 .LBB2_4-.Ltmp2, $3  }
0x11d: {  	_ = 	snop  }
0x11e: {  	v2 =	vmul.f32 v2, v3;
	_ =	sdelay $0x1  }
0x11f: {  	[tilespmem:v1+s30+$0x0] =	vst.idx.add.f32.msk $0xffff, v2  }
0x120: {  	s0 =	simm.s32 $0x19020  }
0x121: {  	v1 =	vld [tilespmem:s0+$0x10];
	_ =	sdelay $0x4  }
0x122: {  	v1 =	vadd.f32 $1.000000020e-16, v1;
	_ =	sdelay $0x1  }
0x123: {  	(erf) = vrcp.f32 v1;
	_ =	sdelay $0x1  }
0x124: {  	v2 =	vld [tilespmem:s0+$0xFFFFFFF0]  }
0x125: {  	v1 =	vld [tilespmem:s0+$0x0]  }
0x126: {  	s23 =	simm.s32 $0xA020;
	v3 =	vld [tilespmem:s0+$0xFFFFFFE0]  }
0x127: {  	v4 =	vld [tilespmem:s23+$0x10];
	_ =	sdelay $0x1  }
0x128: {  	v2 =	vadd.f32 $1.000000020e-16, v2  }
0x129: {  	v1 =	vadd.f32 $1.000000020e-16, v1  }
0x12a: {  	(erf) = vrcp.f32 v2;
	v6 =	vpop (erf)  }
0x12b: {  	v3 =	vadd.f32 $1.000000020e-16, v3;
	(erf) = vrcp.f32 v1;
	v1 =	vmul.f32 v6, v4;
	_ =	sdelay $0x1  }
0x12c: {  	s5 =	simm.s32 $0xC820;
	(erf) = vrcp.f32 v3;
	[tilespmem:s23+$0x10] =	vst v1  }
0x12d: {  	s1 =	simm.s32 $0x19060;
	v5 =	vld [tilespmem:s5+$0x10]  }
0x12e: {  	v4 =	vld [tilespmem:s1+$0x10];
	_ =	sdelay $0x1  }
0x12f: {  	v8 =	vld [tilespmem:s1+$0xFFFFFFF0]  }
0x130: {  	v2 =	vld [tilespmem:s23+$0xFFFFFFE0]  }
0x131: {  	v3 =	vld [tilespmem:s23+$0xFFFFFFF0];
	v5 =	vmul.f32 v5, v6  }
0x132: {  	v10 =	vld [tilespmem:s1+$0x0];
	v9 =	vpop (erf);
	v4 =	vadd.f32 $1.000000020e-16, v4  }
0x133: {  	s4 =	simm.s32 $0xF020;
	v11 =	vld [tilespmem:s1+$0xFFFFFFE0];
	v1 =	vpop (erf);
	[tilespmem:s5+$0x10] =	vst v5  }
0x134: {  	v12 =	vpop (erf);
	(erf) = vrcp.f32 v4;
	v5 =	vld [tilespmem:s4+$0x10]  }
0x135: {  	v2 =	vmul.f32 v12, v2  }
0x136: {  	v3 =	vmul.f32 v9, v3;
	v4 =	vadd.f32 $1.000000020e-16, v8  }
0x137: {  	v7 =	vld [tilespmem:s23+$0x0];
	[tilespmem:s23+$0xFFFFFFE0] =	vst v2;
	v2 =	vadd.f32 $1.000000020e-16, v10  }
0x138: {  	s6 =	simm.s32 $0xA060;
	[tilespmem:s23+$0xFFFFFFF0] =	vst v3;
	v8 =	vadd.f32 $1.000000020e-16, v11;
	(erf) = vrcp.f32 v4;
	v3 =	vld [tilespmem:s5+$0xFFFFFFE0]  }
0x139: {  	(erf) = vrcp.f32 v2;
	v2 =	vld [tilespmem:s6+$0x10];
	v5 =	vmul.f32 v5, v6  }
0x13a: {  	(erf) = vrcp.f32 v8  }
0x13b: {  	s7 =	simm.s32 $0x190A0  }
0x13c: {  	v15 =	vld [tilespmem:s7+$0x10]  }
0x13d: {  	v4 =	vld [tilespmem:s5+$0xFFFFFFF0];
	v3 =	vmul.f32 v3, v12;
	[tilespmem:s4+$0x10] =	vst v5;
	v5 =	vpop (erf)  }
0x13e: {  	v18 =	vld [tilespmem:s7+$0xFFFFFFF0];
	v7 =	vmul.f32 v1, v7;
	v2 =	vmul.f32 v5, v2  }
0x13f: {  	v8 =	vld [tilespmem:s6+$0xFFFFFFE0]  }
0x140: {  	[tilespmem:s23+$0x0] =	vst v7;
	v10 =	vld [tilespmem:s6+$0xFFFFFFF0]  }
0x141: {  	v11 =	vld [tilespmem:s6+$0x0];
	[tilespmem:s5+$0xFFFFFFE0] =	vst v3;
	v3 =	vpop (erf)  }
0x142: {  	v16 =	vmul.f32 v4, v9;
	v14 =	vld [tilespmem:s4+$0xFFFFFFE0];
	[tilespmem:s6+$0x10] =	vst v2;
	v2 =	vpop (erf)  }
0x143: {  	v7 =	vld [tilespmem:s5+$0x0];
	v4 =	vpop (erf)  }
0x144: {  	[tilespmem:s5+$0xFFFFFFF0] =	vst v16;
	v16 =	vld [tilespmem:s7+$0x0];
	v8 =	vmul.f32 v4, v8  }
0x145: {  	s0 =	simm.s32 $0x11820;
	v19 =	vld [tilespmem:s4+$0xFFFFFFF0];
	v10 =	vmul.f32 v3, v10  }
0x146: {  	s1 =	simm.s32 $0xC860;
	v13 =	vld [tilespmem:s0+$0x10];
	v11 =	vmul.f32 v2, v11;
	[tilespmem:s6+$0xFFFFFFE0] =	vst v8  }
0x147: {  	v15 =	vadd.f32 $1.000000020e-16, v15;
	[tilespmem:s6+$0xFFFFFFF0] =	vst v10;
	v14 =	vmul.f32 v14, v12;
	v10 =	vld [tilespmem:s1+$0xFFFFFFE0]  }
0x148: {  	v7 =	vmul.f32 v7, v1;
	v17 =	vld [tilespmem:s1+$0x10];
	[tilespmem:s6+$0x0] =	vst v11  }
0x149: {  	(erf) = vrcp.f32 v15;
	[tilespmem:s4+$0xFFFFFFE0] =	vst v14;
	v15 =	vld [tilespmem:s1+$0x0]  }
0x14a: {  	[tilespmem:s5+$0x0] =	vst v7;
	v7 =	vmul.f32 v19, v9;
	v14 =	vld [tilespmem:s0+$0xFFFFFFE0]  }
0x14b: {  	v8 =	vld [tilespmem:s7+$0xFFFFFFE0]  }
0x14c: {  	[tilespmem:s4+$0xFFFFFFF0] =	vst v7;
	v7 =	vmul.f32 v10, v4  }
0x14d: {  	v11 =	vld [tilespmem:s1+$0xFFFFFFF0];
	v17 =	vmul.f32 v17, v5  }
0x14e: {  	v18 =	vadd.f32 $1.000000020e-16, v18;
	[tilespmem:s1+$0xFFFFFFE0] =	vst v7;
	v7 =	vmul.f32 v15, v2  }
0x14f: {  	s23 =	simm.s32 $0xF060;
	v16 =	vadd.f32 $1.000000020e-16, v16;
	v6 =	vmul.f32 v13, v6;
	v13 =	vld [tilespmem:s4+$0x0];
	[tilespmem:s1+$0x10] =	vst v17  }
0x150: {  	(erf) = vrcp.f32 v18;
	v17 =	vld [tilespmem:s23+$0x10];
	[tilespmem:s1+$0x0] =	vst v7;
	v7 =	vmul.f32 v14, v12;
	v14 =	vadd.f32 $1.000000020e-16, v8  }
0x151: {  	(erf) = vrcp.f32 v16  }
0x152: {  	[tilespmem:s0+$0x10] =	vst v6;
	v6 =	vmul.f32 v11, v3;
	v11 =	vld [tilespmem:s0+$0xFFFFFFF0];
	v8 =	vpop (erf);
	(erf) = vrcp.f32 v14  }
0x153: {  	s7 =	simm.s32 $0xA0A0  }
0x154: {  	v16 =	vmul.f32 v13, v1;
	v15 =	vld [tilespmem:s7+$0x10]  }
0x155: {  	v13 =	vld [tilespmem:s7+$0xFFFFFFF0];
	[tilespmem:s1+$0xFFFFFFF0] =	vst v6;
	v6 =	vmul.f32 v17, v5  }
0x156: {  	[tilespmem:s4+$0x0] =	vst v16;
	v10 =	vld [tilespmem:s7+$0xFFFFFFE0]  }
0x157: {  	s5 =	simm.s32 $0x11860;
	v16 =	vmul.f32 v11, v9;
	v12 =	vld [tilespmem:s7+$0x0];
	[tilespmem:s23+$0x10] =	vst v6  }
0x158: {  	v9 =	vld [tilespmem:s5+$0x10]  }
0x159: {  	s8 =	simm.s32 $0x8;
	v11 =	vld [tilespmem:s23+$0xFFFFFFE0];
	[tilespmem:s0+$0xFFFFFFF0] =	vst v16;
	v6 =	vpop (erf);
	v15 =	vmul.f32 v8, v15  }
0x15a: {  	s9 =	simm.s32 $0x190E0;
	s6 =	simm.s32 $0xF060;
	s4 =	simm.s32 $0x11860;
	[tilespmem:s0+$0xFFFFFFE0] =	vst v7;
	v14 =	vld [tilespmem:s23+$0xFFFFFFF0];
	v7 =	vpop (erf)  }
.LBB2_8:
0x15b: {  	v16 =	vld [tilespmem:s9+$0x10];
	v13 =	vmul.f32 v6, v13;
	[tilespmem:s7+$0x10] =	vst v15;
	v15 =	vpop (erf);
	s1 =	sadd.s32 $0x40, s1  }
0x15c: {  	s8 =	sadd.s32 $0x4, s8;
	v10 =	vmul.f32 v15, v10;
	v12 =	vmul.f32 v7, v12;
	v17 =	vld [tilespmem:s1+$0x10]  }
0x15d: {  	p0 =	slt.u32 s8, $0x27C;
	v18 =	vld [tilespmem:s9+$0xFFFFFFF0];
	[tilespmem:s7+$0xFFFFFFF0] =	vst v13;
	v9 =	vmul.f32 v9, v5;
	v5 =	vmov v8  }
0x15e: {  	v8 =	vld [tilespmem:s9+$0x0];
	[tilespmem:s7+$0xFFFFFFE0] =	vst v10;
	v10 =	vmul.f32 v11, v4  }
0x15f: {  	v11 =	vld [tilespmem:s9+$0xFFFFFFE0];
	v13 =	vmul.f32 v14, v3;
	[tilespmem:s5+$0x10] =	vst v9  }
0x160: {  	v9 =	vld [tilespmem:s1+$0xFFFFFFE0];
	[tilespmem:s7+$0x0] =	vst v12  }
0x161: {  	v12 =	vadd.f32 $1.000000020e-16, v16;
	v14 =	vld [tilespmem:s1+$0xFFFFFFF0];
	v16 =	vmul.f32 v17, v5;
	[tilespmem:s23+$0xFFFFFFE0] =	vst v10  }
0x162: {  	v10 =	vadd.f32 $1.000000020e-16, v18;
	v17 =	vld [tilespmem:s1+$0x0];
	[tilespmem:s23+$0xFFFFFFF0] =	vst v13  }
0x163: {  	s23 =	sadd.s32 $0x40, s23;
	v8 =	vadd.f32 $1.000000020e-16, v8;
	(erf) = vrcp.f32 v12;
	[tilespmem:s1+$0x10] =	vst v16;
	v12 =	vld [tilespmem:s6+$0x0]  }
0x164: {  	v11 =	vadd.f32 $1.000000020e-16, v11;
	(erf) = vrcp.f32 v10;
	v13 =	vld [tilespmem:s23+$0x10]  }
0x165: {  	(erf) = vrcp.f32 v8;
	v8 =	vmul.f32 v9, v15;
	v9 =	vld [tilespmem:s5+$0xFFFFFFE0]  }
0x166: {  	(erf) = vrcp.f32 v11;
	v10 =	vmul.f32 v14, v6;
	v11 =	vld [tilespmem:s5+$0xFFFFFFF0]  }
0x167: {  	s7 =	sadd.s32 $0x40, s7;
	[tilespmem:s1+$0xFFFFFFE0] =	vst v8;
	v8 =	vmul.f32 v17, v7;
	v14 =	vld [tilespmem:s0+$0x0]  }
0x168: {  	v16 =	vld [tilespmem:s7+$0x10];
	[tilespmem:s1+$0xFFFFFFF0] =	vst v10;
	v12 =	vmul.f32 v12, v2  }
0x169: {  	v10 =	vld [tilespmem:s7+$0xFFFFFFE0];
	[tilespmem:s1+$0x0] =	vst v8;
	v19 =	vmul.f32 v13, v5  }
.Ltmp3:
0x16a: {  	v13 =	vld [tilespmem:s7+$0xFFFFFFF0];
	v17 =	vmul.f32 v9, v4;
	[tilespmem:s6+$0x0] =	vst v12;
	v4 =	vmov v15;
	s6 =	smov.u32 s23;
	(pc) =	sbr.rel @p0 .LBB2_8-.Ltmp3, $4  }
0x16b: {  	s5 =	sadd.s32 $0x40, s5;
	v12 =	vld [tilespmem:s7+$0x0];
	[tilespmem:s23+$0x10] =	vst v19;
	v18 =	vmul.f32 v11, v3;
	v3 =	vmov v6  }
0x16c: {  	v8 =	vpop (erf);
	v9 =	vld [tilespmem:s5+$0x10];
	[tilespmem:s4+$0xFFFFFFE0] =	vst v17;
	v17 =	vmul.f32 v14, v1;
	v1 =	vmov v2;
	v2 =	vmov v7  }
0x16d: {  	v15 =	vmul.f32 v8, v16;
	v6 =	vpop (erf);
	v11 =	vld [tilespmem:s23+$0xFFFFFFE0];
	[tilespmem:s4+$0xFFFFFFF0] =	vst v18  }
0x16e: {  	s9 =	sadd.s32 $0x40, s9;
	v7 =	vpop (erf);
	v14 =	vld [tilespmem:s23+$0xFFFFFFF0];
	[tilespmem:s0+$0x0] =	vst v17;
	s0 =	smov.u32 s4;
	s4 =	smov.u32 s5  }
0x16f: {  	v16 =	vpop (erf)  }
0x170: {  	v10 =	vmul.f32 v16, v10  }
0x171: {  	v13 =	vmul.f32 v6, v13;
	[tilespmem:s7+$0x10] =	vst v15;
	s1 =	sadd.s32 $0x40, s1  }
0x172: {  	v15 =	vld [tilespmem:s1+$0x10];
	[tilespmem:s7+$0xFFFFFFE0] =	vst v10  }
0x173: {  	v53 =	vmul.f32 v7, v12;
	[tilespmem:s7+$0xFFFFFFF0] =	vst v13;
	v54 =	vld [tilespmem:s1+$0xFFFFFFE0]  }
0x174: {  	v13 =	vld [tilespmem:s1+$0xFFFFFFF0]  }
0x175: {  	[tilespmem:s7+$0x0] =	vst v53  }
0x176: {  	v10 =	vld [tilespmem:s1+$0x0]  }
0x177: {  	v15 =	vmul.f32 v15, v8  }
0x178: {  	v12 =	vmul.f32 v54, v16  }
0x179: {  	s9 =	sadd.s32 $0x40, s23;
	[tilespmem:s1+$0x10] =	vst v15;
	v13 =	vmul.f32 v13, v6  }
0x17a: {  	v15 =	vld [tilespmem:s9+$0x10];
	[tilespmem:s1+$0xFFFFFFE0] =	vst v12  }
0x17b: {  	v10 =	vmul.f32 v10, v7;
	[tilespmem:s1+$0xFFFFFFF0] =	vst v13;
	v12 =	vld [tilespmem:s9+$0xFFFFFFE0]  }
0x17c: {  	v5 =	vmul.f32 v9, v5;
	v13 =	vld [tilespmem:s9+$0xFFFFFFF0]  }
0x17d: {  	v55 =	vld [tilespmem:s6+$0x0];
	v14 =	vmul.f32 v14, v3;
	[tilespmem:s1+$0x0] =	vst v10  }
0x17e: {  	v11 =	vmul.f32 v11, v4;
	[tilespmem:s5+$0x10] =	vst v5;
	v56 =	vld [tilespmem:s9+$0x0]  }
0x17f: {  	v59 =	vld [tilespmem:s0+$0x0];
	[tilespmem:s23+$0xFFFFFFF0] =	vst v14;
	v57 =	vmul.f32 v15, v8  }
0x180: {  	[tilespmem:s23+$0xFFFFFFE0] =	vst v11;
	v58 =	vld [tilespmem:s5+$0xFFFFFFF0];
	v12 =	vmul.f32 v12, v16  }
0x181: {  	v11 =	vld [tilespmem:s5+$0xFFFFFFE0];
	s23 =	sadd.s32 $0x40, s5;
	[tilespmem:s9+$0x10] =	vst v57;
	v13 =	vmul.f32 v13, v6  }
0x182: {  	v10 =	vmul.f32 v55, v2;
	v14 =	vld [tilespmem:s23+$0x10];
	[tilespmem:s9+$0xFFFFFFE0] =	vst v12  }
0x183: {  	v9 =	vmul.f32 v56, v7;
	[tilespmem:s9+$0xFFFFFFF0] =	vst v13;
	v12 =	vld [tilespmem:s23+$0xFFFFFFE0]  }
0x184: {  	v1 =	vmul.f32 v59, v1;
	[tilespmem:s6+$0x0] =	vst v10;
	v61 =	vld [tilespmem:s23+$0xFFFFFFF0]  }
0x185: {  	v3 =	vmul.f32 v58, v3;
	v62 =	vld [tilespmem:s4+$0x0];
	[tilespmem:s9+$0x0] =	vst v9  }
0x186: {  	[tilespmem:s0+$0x0] =	vst v1;
	v60 =	vmul.f32 v11, v4;
	v63 =	vld [tilespmem:s23+$0x0]  }
0x187: {  	[tilespmem:s4+$0xFFFFFFF0] =	vst v3;
	v3 =	vmul.f32 v14, v8  }
0x188: {  	[tilespmem:s4+$0xFFFFFFE0] =	vst v60;
	v1 =	vmul.f32 v12, v16  }
0x189: {  	[tilespmem:s23+$0x10] =	vst v3;
	v3 =	vmul.f32 v61, v6  }
0x18a: {  	[tilespmem:s23+$0xFFFFFFE0] =	vst v1;
	v1 =	vmul.f32 v62, v2  }
0x18b: {  	[tilespmem:s23+$0xFFFFFFF0] =	vst v3;
	v2 =	vmul.f32 v63, v7  }
0x18c: {  	[tilespmem:s4+$0x0] =	vst v1  }
0x18d: {  	[tilespmem:s23+$0x0] =	vst v2  }
0x18e: {  	[hbm4b:s10+s15] =	stream.strided.scatter [tilespmem:s26], [sflag:$0x2], $0x2800, s16, s15, $0x38;
	[tilespmem:$0x1C800] =	vst v63  }
0x18f: {  	_ =	swait.ge [sflag:s17], $0x2800  }
0x190: {  	[sflag:s17] =	ssyncset.done $0x0  }
0x191: {  	[sflag:s17] =	ssyncadd.s32 $0xFFFFD800  }
0x192: {  	[hbm4b:s11+s15] =	stream.strided.scatter [tilespmem:s28], [sflag:$0x2], $0x2800, s16, s15, $0x38;
	[tilespmem:$0x1C800] =	vst v63  }
0x193: {  	_ =	swait.ge [sflag:s17], $0x2800  }
0x194: {  	[sflag:s17] =	ssyncset.done $0x0  }
0x195: {  	[sflag:s17] =	ssyncadd.s32 $0xFFFFD800  }
0x196: {  	[hbm4b:s12+s15] =	stream.strided.scatter [tilespmem:s29], [sflag:$0x2], $0x2800, s16, s15, $0x38;
	[tilespmem:$0x1C800] =	vst v63  }
0x197: {  	s31 =	sadd.s32 $0x1, s31;
	_ =	swait.ge [sflag:s17], $0x2800  }
0x198: {  	p0 =	sne.s32 s31, s14;
	[sflag:s17] =	ssyncset.done $0x0  }
.Ltmp4:
0x199: {  	[sflag:s17] =	ssyncadd.s32 $0xFFFFD800;
	(pc) =	sbr.rel @p0 .LBB2_1-.Ltmp4, $4  }
0x19a: {  	[hbm4b:s13+s15] =	stream.strided.scatter [tilespmem:s30], [sflag:$0x2], $0x2800, s16, s15, $0x38;
	[tilespmem:$0x1C800] =	vst v63  }
0x19b: {  	_ =	swait.ge [sflag:s17], $0x2800  }
0x19c: {  	[sflag:s17] =	ssyncset.done $0x0  }
0x19d: {  	[sflag:s17] =	ssyncadd.s32 $0xFFFFD800  }
0x19e: {  	_ =	sfence.sel $0x180000  }
0x19f: {  	[bflag:$0x0] =	sbarrier.arrive $0xFFFF  }
0x1a0: {  	_ =	strace $0x90000047  }
0x1a1: {  	s0 =	stileid.u32;
	[bflag:$0x2] =	sbarrier.arrive $0xFFFF  }
0x1a2: {  	p0 =	sne.s32 s0, $0x0;
	s0 =	rddreg [dreg:$0x2]  }
0x1a3: {  	s0 =	sadd.s32 @!p0 $0x100000, s0  }
0x1a4: {  	[sflag:s0] =	ssyncadd.tile.s32 @!p0 $0x1;
	_ =	shalt  }
.Lfunc_end2:
_tile_overlayer_lowered:
.L_overlay_start_2:
0x1a5: {  	(tag) =	ssettag $0x2  }
0x1a6: {  	s0 =	rddreg [dreg:$0x0];
	s2 =	stileid.u32  }
0x1a7: {  	s1 =	rddreg [dreg:$0x1];
	p0 =	sne.s32 s2, $0x0  }
0x1a8: {  	s3 =	rddreg [dreg:$0x2];
	[bflag:$0x3] =	sbarrier.arrive $0xFFFF;
	s2 =	simm.s32 @!p0 $0x1C02  }
0x1a9: {  	[timem:s3], [sflag:s2] =	dma.local @!p0 [hbm:s0], s1  }
0x1aa: {  	s0 =	simm.s32 @!p0 $0x2  }
0x1ab: {  	_ =	swait.ge @!p0 [sflag:s0], s1  }
0x1ac: {  	s1 =	ssub.s32 @!p0 $0x0, s1;
	[sflag:s0] =	ssyncset.done @!p0 $0x0  }
0x1ad: {  	[sflag:s0] =	ssyncadd.s32 @!p0 s1  }
0x1ae: {  	[bflag:$0x3] =	sbarrier.arrive $0xFFFF  }
0x1af: {  	_ =	shalt  }

</sc_bundles>
